<compile_context>
chip_gen: v7x
topology: tpu7x:2x2x1
jax: 0.10.2.dev20260603
libtpu: 0.0.44.dev20260713+nightly
codegen_flags: <defaults>
</compile_context>

<pallas_src>
import functools

import numpy as np
import jax
import jax.numpy as jnp
from jax import lax
from jax.experimental import pallas as pl
from jax.experimental.pallas import tpu as pltpu
from jax.experimental.pallas import tpu_sc as plsc

_B, _C, _H, _W, _M = 64, 3, 96, 320, 50
_HW = _H * _W
_NOBJ = _B * _M
_NW = 32
_CHUNK = 128
_NPAD = _NW * _CHUNK
_NSLOT = 12
_DEPTH_MEAN, _DEPTH_STD = 28.01, 16.32
_CLS0, _CLS1, _CLS2 = 1.63, 1.53, 3.88

_SLOT_ARRAY = (0, 0, 1, 1, 2, 2, 2, 3, 4, 4, 5, 5)
_SLOT_CHAN = (0, 1, 0, 1, 0, 1, 2, 0, 0, 1, 0, 1)
_ARRAY_C = (2, 2, 3, 1, 2, 2)


def _sc_gather(s2d, o2d, s3d, dep, o3d, ori, idxw):
    mesh = plsc.VectorSubcoreMesh(core_axis_name="c", subcore_axis_name="s")

    @functools.partial(
        pl.kernel,
        mesh=mesh,
        out_type=jax.ShapeDtypeStruct((_NW, _NSLOT, _CHUNK), jnp.float32),
        scratch_types=[
            pltpu.VMEM((_NSLOT, _CHUNK), jnp.int32),
            pltpu.VMEM((_NSLOT, _CHUNK), jnp.float32),
            pltpu.SemaphoreType.DMA,
        ],
    )
    def k(s2d_h, o2d_h, s3d_h, dep_h, o3d_h, ori_h, idx_h, out_h, idx_v, val_v, sem):
        wid = lax.axis_index("s") * 2 + lax.axis_index("c")
        srcs = (s2d_h, o2d_h, s3d_h, dep_h, o3d_h, ori_h)
        pltpu.sync_copy(idx_h.at[wid], idx_v)
        copies = []
        for slot in range(_NSLOT):
            src = srcs[_SLOT_ARRAY[slot]]
            copies.append(
                pltpu.async_copy(src.at[idx_v.at[slot]], val_v.at[slot], sem))
        for c in copies:
            c.wait()
        pltpu.sync_copy(val_v, out_h.at[wid])

    return k(s2d, o2d, s3d, dep, o3d, ori, idxw)


def _focal_partials(hm2d, t2d):
    rows, cols = hm2d.shape
    grid_n = 8
    br = rows // grid_n

    def body(h_ref, t_ref, pl_ref, nl_ref, np_ref):
        i = pl.program_id(0)
        x = h_ref[...]
        gt = t_ref[...]
        p = jnp.clip(jax.nn.sigmoid(x), 1e-4, 1.0 - 1e-4)
        pos = (gt == 1.0).astype(jnp.float32)
        neg = (gt < 1.0).astype(jnp.float32)
        omgt2 = jnp.square(1.0 - gt)
        nw = omgt2 * omgt2
        pls = jnp.sum(jnp.log(p) * jnp.square(1.0 - p) * pos)
        nls = jnp.sum(jnp.log(1.0 - p) * jnp.square(p) * nw * neg)
        nps = jnp.sum(pos)

        @pl.when(i == 0)
        def _():
            pl_ref[...] = pls.reshape(1, 1)
            nl_ref[...] = nls.reshape(1, 1)
            np_ref[...] = nps.reshape(1, 1)

        @pl.when(i != 0)
        def _():
            pl_ref[...] += pls.reshape(1, 1)
            nl_ref[...] += nls.reshape(1, 1)
            np_ref[...] += nps.reshape(1, 1)

    return pl.pallas_call(
        body,
        grid=(grid_n,),
        in_specs=[
            pl.BlockSpec((br, cols), lambda i: (i, 0)),
            pl.BlockSpec((br, cols), lambda i: (i, 0)),
        ],
        out_specs=[pl.BlockSpec((1, 1), lambda i: (0, 0))] * 3,
        out_shape=[jax.ShapeDtypeStruct((1, 1), jnp.float32)] * 3,
    )(hm2d, t2d)


def _atan(x):
    ax = jnp.abs(x)
    big = ax > 2.414213562373095
    mid = ax > 0.4142135623730951
    xr = jnp.where(big, -1.0 / jnp.where(big, ax, 1.0),
                   jnp.where(mid, (ax - 1.0) / (ax + 1.0), ax))
    y0 = jnp.where(big, np.pi / 2, jnp.where(mid, np.pi / 4, 0.0))
    z = xr * xr
    poly = (((8.05374449538e-2 * z - 1.38776856032e-1) * z
             + 1.99777106478e-1) * z - 3.33329491539e-1)
    r = y0 + xr + xr * z * poly
    return jnp.where(x < 0, -r, r)


def _obj_losses(gathered, aux):
    def body(g_ref, a_ref, s2_ref, o2_ref, s3_ref, po_ref, ro_ref, ms_ref):
        g = g_ref[...]
        a = a_ref[...]

        def gr(r):
            return g[r : r + 1, :]

        def ar(r):
            return a[r : r + 1, :]

        xs, ys, m = ar(0), ar(1), ar(2)
        s2d_sum = jnp.sum((jnp.abs(gr(0) - ar(3)) + jnp.abs(gr(1) - ar(4))) * m)
        o2d_sum = jnp.sum((jnp.abs(gr(2) - ar(5)) + jnp.abs(gr(3) - ar(6))) * m)
        ps0 = jnp.exp(gr(4)) * _CLS0
        ps1 = jnp.exp(gr(5)) * _CLS1
        ps2 = jnp.exp(gr(6)) * _CLS2
        s3d_sum = jnp.sum(
            (jnp.abs(ps0 - ar(7)) + jnp.abs(ps1 - ar(8)) + jnp.abs(ps2 - ar(9))) * m
        )
        dep = gr(7) * _DEPTH_STD + _DEPTH_MEAN
        px = (xs + gr(8)) * ar(14) * dep
        py = (ys + gr(9)) * ar(15) * dep
        pz = dep
        k00, k01, k02 = ar(16), ar(17), ar(18)
        k10, k11, k12 = ar(19), ar(20), ar(21)
        k20, k21, k22 = ar(22), ar(23), ar(24)
        c00 = k11 * k22 - k12 * k21
        c01 = k12 * k20 - k10 * k22
        c02 = k10 * k21 - k11 * k20
        rdet = 1.0 / (k00 * c00 + k01 * c01 + k02 * c02)
        loc0 = (c00 * px + (k02 * k21 - k01 * k22) * py + (k01 * k12 - k02 * k11) * pz) * rdet
        loc1 = (c01 * px + (k00 * k22 - k02 * k20) * py + (k02 * k10 - k00 * k12) * pz) * rdet
        loc2 = (c02 * px + (k01 * k20 - k00 * k21) * py + (k00 * k11 - k01 * k10) * pz) * rdet
        loc1 = loc1 + ps0 * 0.5
        pos_sum = jnp.sum(
            (jnp.abs(loc0 - ar(10)) + jnp.abs(loc1 - ar(11)) + jnp.abs(loc2 - ar(12))) * m
        )
        rays = _atan(loc0 / (loc2 + 1e-7))
        alphas = _atan(gr(10) / (gr(11) + 1e-7))
        alphas = jnp.where(gr(11) >= 0, alphas - np.pi / 2.0, alphas + np.pi / 2.0)
        rotys = alphas + rays
        rotys = jnp.where(rotys > np.pi, rotys - 2.0 * np.pi, rotys)
        rotys = jnp.where(rotys < -np.pi, rotys + 2.0 * np.pi, rotys)
        rot_sum = jnp.sum(jnp.abs(rotys - ar(13)) * m)
        msum = jnp.sum(m)

        s2_ref[...] = s2d_sum.reshape(1, 1)
        o2_ref[...] = o2d_sum.reshape(1, 1)
        s3_ref[...] = s3d_sum.reshape(1, 1)
        po_ref[...] = pos_sum.reshape(1, 1)
        ro_ref[...] = rot_sum.reshape(1, 1)
        ms_ref[...] = msum.reshape(1, 1)

    return pl.pallas_call(
        body,
        out_shape=[jax.ShapeDtypeStruct((1, 1), jnp.float32)] * 6,
    )(gathered, aux)


def kernel(heatmap, size_2d, offset_2d, size_3d_offset, depth, offset_3d, ori,
           t_heatmap, t_size_2d, t_offset_2d, t_size_3d_smoke, t_position,
           t_rotation_y, calibs, bbox_downsample_ratio, indices, mask_2d):
    inds = indices.reshape(-1).astype(jnp.int32)
    obj_b = jnp.arange(_NOBJ, dtype=jnp.int32) // _M

    rows = []
    for slot in range(_NSLOT):
        ca = _ARRAY_C[_SLOT_ARRAY[slot]]
        rows.append((obj_b * ca + _SLOT_CHAN[slot]) * _HW + inds)
    idx12 = jnp.pad(jnp.stack(rows), ((0, 0), (0, _NPAD - _NOBJ)))
    idxw = idx12.reshape(_NSLOT, _NW, _CHUNK).transpose(1, 0, 2)

    gat_w = _sc_gather(
        size_2d.reshape(-1), offset_2d.reshape(-1), size_3d_offset.reshape(-1),
        depth.reshape(-1), offset_3d.reshape(-1), ori.reshape(-1), idxw)
    gathered = jnp.pad(
        gat_w.transpose(1, 0, 2).reshape(_NSLOT, _NPAD), ((0, 4), (0, 0)))

    def bexp(x):
        return jnp.broadcast_to(x[:, None], (_B, _M)).reshape(-1)

    kmat = calibs[:, :3, :3]
    aux_rows = [
        (inds % _W).astype(jnp.float32),
        (inds // _W).astype(jnp.float32),
        mask_2d.reshape(-1).astype(jnp.float32),
        t_size_2d.reshape(-1, 2)[:, 0], t_size_2d.reshape(-1, 2)[:, 1],
        t_offset_2d.reshape(-1, 2)[:, 0], t_offset_2d.reshape(-1, 2)[:, 1],
        t_size_3d_smoke.reshape(-1, 3)[:, 0],
        t_size_3d_smoke.reshape(-1, 3)[:, 1],
        t_size_3d_smoke.reshape(-1, 3)[:, 2],
        t_position.reshape(-1, 3)[:, 0],
        t_position.reshape(-1, 3)[:, 1],
        t_position.reshape(-1, 3)[:, 2],
        t_rotation_y.reshape(-1),
        bexp(bbox_downsample_ratio[:, 0]), bexp(bbox_downsample_ratio[:, 1]),
        bexp(kmat[:, 0, 0]), bexp(kmat[:, 0, 1]), bexp(kmat[:, 0, 2]),
        bexp(kmat[:, 1, 0]), bexp(kmat[:, 1, 1]), bexp(kmat[:, 1, 2]),
        bexp(kmat[:, 2, 0]), bexp(kmat[:, 2, 1]), bexp(kmat[:, 2, 2]),
    ]
    aux = jnp.pad(jnp.stack(aux_rows), ((0, 32 - len(aux_rows)), (0, _NPAD - _NOBJ)))
    aux = aux.at[jnp.array([16, 20, 24]), _NOBJ:].set(1.0)

    hm2d = heatmap.reshape(-1, _W)
    t2d = t_heatmap.reshape(-1, _W)
    pls, nls, nps = _focal_partials(hm2d, t2d)

    s2s, o2s, s3s, pos_s, rot_s, msum = _obj_losses(gathered, aux)

    pls, nls, nps = pls[0, 0], nls[0, 0], nps[0, 0]
    s2s, o2s, s3s = s2s[0, 0], o2s[0, 0], s3s[0, 0]
    pos_s, rot_s, msum = pos_s[0, 0], rot_s[0, 0], msum[0, 0]

    seg = jnp.where(nps > 0, -(pls + nls) / jnp.maximum(nps, 1.0), -nls) * 5.0
    total = (seg
             + (o2s + s2s) / (msum * 2.0)
             + s3s / (msum * 3.0)
             + pos_s / (msum * 3.0)
             + rot_s / msum)
    return total

# --- scband reference (transcript-rebuilt; emitter-appended) ---
"""Pipeline reference for scband-smokeloss-computation-20667382628730 (READ-ONLY COPY).

The authoritative reference and input builder live on the scoring server;
editing this copy changes nothing except your own understanding.
"""

import jax, jax.numpy as jnp
import numpy as np

B, C, H, W, M = 64, 3, 96, 320, 50
DEPTH_REF = (28.01, 16.32)
CLS_MEAN_SIZE = jnp.array([1.63, 1.53, 3.88], dtype=jnp.float32)

def _gather_feat(feat, ind):
    b, c, h, w = feat.shape
    f = feat.transpose(0, 2, 3, 1).reshape(b, h * w, c)
    return jnp.take_along_axis(f, ind[:, :, None], axis=1)

def _flat(x):
    return x.reshape((-1,) + x.shape[2:])

def _l1(a, b):
    return jnp.abs(a - b).mean()

def _l1m(a, b, mask):
    d = jnp.abs(a - b)
    m = mask.reshape((mask.shape[0],) + (1,) * (d.ndim - 1))
    per_row = d.size // mask.shape[0]
    return (d * m).sum() / (mask.sum() * per_row)

def focal_loss(pred, gt):
    pos = (gt == 1.0).astype(pred.dtype)
    neg = (gt < 1.0).astype(pred.dtype)
    nw = jnp.power(1.0 - gt, 4)
    pl = (jnp.log(pred) * jnp.power(1.0 - pred, 2) * pos).sum()
    nl = (jnp.log(1.0 - pred) * jnp.power(pred, 2) * nw * neg).sum()
    npos = pos.sum()
    return jnp.where(npos > 0, -(pl + nl) / jnp.maximum(npos, 1.0), -nl)

def _forward(heatmap, size_2d, offset_2d, size_3d_offset, depth, offset_3d, ori, t_heatmap, t_size_2d, t_offset_2d, t_size_3d_smoke, t_position, t_rotation_y, calibs, bbox_downsample_ratio, indices, mask_2d):
    b, m = indices.shape
    mask = mask_2d.reshape(-1).astype(jnp.float32)
    hm = jnp.clip(jax.nn.sigmoid(heatmap), 1e-4, 1.0 - 1e-4)
    seg_loss = focal_loss(hm, t_heatmap) * 5.0
    size2d_loss = _l1m(_flat(_gather_feat(size_2d, indices)), _flat(t_size_2d), mask)
    offset2d_loss = _l1m(_flat(_gather_feat(offset_2d, indices)), _flat(t_offset_2d), mask)
    bbox2d_loss = offset2d_loss + size2d_loss
    pred_size_3d = jnp.exp(_flat(_gather_feat(size_3d_offset, indices))) * CLS_MEAN_SIZE
    size3d_loss = _l1m(pred_size_3d, _flat(t_size_3d_smoke), mask)
    pred_depths = _flat(_gather_feat(depth, indices)) * DEPTH_REF[1] + DEPTH_REF[0]
    w = heatmap.shape[3]
    xs = _flat(indices % w)
    ys = _flat(indices // w)
    points = jnp.stack([xs, ys], axis=-1).astype(jnp.float32)
    pred_proj_offsets = _flat(_gather_feat(offset_3d, indices))
    obj_batch = _flat(jnp.broadcast_to(jnp.arange(b)[:, None], (b, m)))
    Ks_inv = jnp.linalg.inv(calibs[:, :3, :3])[obj_batch]
    downs = _flat(jnp.broadcast_to(bbox_downsample_ratio[:, None, :], (b, m, 2)))
    proj = (points + pred_proj_offsets) * downs
    pts_ext = jnp.concatenate([proj, jnp.ones((proj.shape[0], 1), jnp.float32)], axis=1) * pred_depths.reshape(-1, 1)
    pred_locations = jnp.einsum('nij,nj->ni', Ks_inv, pts_ext)
    pred_locations = pred_locations.at[:, 1].add(pred_size_3d[:, 0] / 2.0)
    position_loss = _l1m(pred_locations, _flat(t_position), mask)
    pred_ori = _flat(_gather_feat(ori, indices))
    rays = jnp.arctan(pred_locations[:, 0] / (pred_locations[:, 2] + 1e-7))
    alphas = jnp.arctan(pred_ori[:, 0] / (pred_ori[:, 1] + 1e-7))
    alphas = jnp.where(pred_ori[:, 1] >= 0, alphas - np.pi / 2.0, alphas + np.pi / 2.0)
    rotys = alphas + rays
    rotys = jnp.where(rotys > np.pi, rotys - 2.0 * np.pi, rotys)
    rotys = jnp.where(rotys < -np.pi, rotys + 2.0 * np.pi, rotys)
    rotation_loss = _l1m(rotys, _flat(t_rotation_y), mask)
    bbox3d_loss = size3d_loss + position_loss + rotation_loss
    return seg_loss + bbox2d_loss + bbox3d_loss

def setup_inputs(seed: int = 0):
    key = jax.random.key(seed)
    ks = jax.random.split(key, 16)
    inp = {}
    inp['heatmap'] = jax.random.normal(ks[0], (B, C, H, W), jnp.float32)
    inp['size_2d'] = jax.random.normal(ks[1], (B, 2, H, W), jnp.float32)
    inp['offset_2d'] = jax.random.normal(ks[2], (B, 2, H, W), jnp.float32)
    inp['size_3d_offset'] = jax.random.normal(ks[3], (B, 3, H, W), jnp.float32)
    inp['depth'] = jax.random.normal(ks[4], (B, 1, H, W), jnp.float32)
    inp['offset_3d'] = jax.random.normal(ks[5], (B, 2, H, W), jnp.float32)
    inp['ori'] = jax.random.normal(ks[6], (B, 2, H, W), jnp.float32)
    inp['t_heatmap'] = jax.random.uniform(ks[7], (B, C, H, W), dtype=jnp.float32)
    inp['t_size_2d'] = jax.random.uniform(ks[8], (B, M, 2), dtype=jnp.float32)
    inp['t_offset_2d'] = jax.random.uniform(ks[9], (B, M, 2), dtype=jnp.float32)
    inp['t_size_3d_smoke'] = jax.random.uniform(ks[10], (B, M, 3), dtype=jnp.float32) * 4.0
    inp['t_position'] = jax.random.normal(ks[11], (B, M, 3), jnp.float32) * 10.0
    inp['t_rotation_y'] = jax.random.uniform(ks[12], (B, M), dtype=jnp.float32) * 2.0 * np.pi - np.pi
    Kmat = jnp.array([[721.54, 0.0, 609.56, 44.86], [0.0, 721.54, 172.85, 0.22], [0.0, 0.0, 1.0, 0.003]], jnp.float32)
    inp['calibs'] = jnp.broadcast_to(Kmat[None], (B, 3, 4)) + 0.01 * jax.random.normal(ks[13], (B, 3, 4), jnp.float32)
    inp['bbox_downsample_ratio'] = jnp.full((B, 2), 4.0, jnp.float32)
    inp['indices'] = jax.random.randint(ks[14], (B, M), 0, H * W, dtype=jnp.int32)
    inp['mask_2d'] = jax.random.randint(ks[15], (B, M), 0, 2, dtype=jnp.int32).astype(bool)
    return inp

def reference(heatmap, size_2d, offset_2d, size_3d_offset, depth, offset_3d, ori, t_heatmap, t_size_2d, t_offset_2d, t_size_3d_smoke, t_position, t_rotation_y, calibs, bbox_downsample_ratio, indices, mask_2d):
    return _forward(heatmap, size_2d, offset_2d, size_3d_offset, depth, offset_3d, ori, t_heatmap, t_size_2d, t_offset_2d, t_size_3d_smoke, t_position, t_rotation_y, calibs, bbox_downsample_ratio, indices, mask_2d)

if __name__ == "__main__":
    import jax
    _d = setup_inputs()
    print(jax.jit(kernel)(*tuple(_d.values())))

</pallas_src>

<mosaic_0001>
#map = affine_map<(d0, d1) -> (0)>
#map1 = affine_map<(d0, d1) -> (0, 0, 0)>
module attributes {stable_mosaic.version = 14 : i64} {
  func.func @k(%arg0: i32, %arg1: i32, %arg2: memref<3932160xf32, #tpu.memory_space<hbm>>, %arg3: memref<3932160xf32, #tpu.memory_space<hbm>>, %arg4: memref<5898240xf32, #tpu.memory_space<hbm>>, %arg5: memref<1966080xf32, #tpu.memory_space<hbm>>, %arg6: memref<3932160xf32, #tpu.memory_space<hbm>>, %arg7: memref<3932160xf32, #tpu.memory_space<hbm>>, %arg8: memref<32x12x128xi32, #tpu.memory_space<hbm>>, %arg9: memref<32x12x128xf32, #tpu.memory_space<hbm>>, %arg10: memref<12x128xi32, #tpu.memory_space<vmem>>, %arg11: memref<12x128xf32, #tpu.memory_space<vmem>>, %arg12: memref<!tpu.dma_semaphore, #tpu.memory_space<semaphore_mem>>) attributes {dimension_semantics = [#tpu.dimension_semantics<core_parallel>, #tpu.dimension_semantics<subcore_parallel>], iteration_bounds = array<i64: 2, 16>, scalar_prefetch = 0 : i64, scratch_operands = 3 : i64, tpu.core_type = #tpu.core_type<sc_vector_subcore>, window_params = [{transform_indices = #map}, {transform_indices = #map}, {transform_indices = #map}, {transform_indices = #map}, {transform_indices = #map}, {transform_indices = #map}, {transform_indices = #map1}, {transform_indices = #map1}]} {
    %mul3A = arith.constant 2 : i32
    %mul3A_0 = arith.muli %arg1, %mul3A : i32
    %add3A = arith.addi %mul3A_0, %arg0 : i32
    "tpu.region"() ({
      %run_scoped3A = tpu.sem_alloc : memref<!tpu.dma_semaphore, #tpu.memory_space<semaphore_mem>>
      %dma_start3A_239 = arith.constant 0 : i32
      %dma_start3A_240 = arith.constant 0 : i32
      %dma_start3A_241 = tpu.memref_slice %arg8[%add3A, %dma_start3A_239, %dma_start3A_240] : memref<32x12x128xi32, #tpu.memory_space<hbm>> -> memref<1x12x128xi32, #tpu.memory_space<hbm>>
      %dma_start3A_242 = tpu.memref_squeeze %dma_start3A_241 : memref<1x12x128xi32, #tpu.memory_space<hbm>> -> memref<12x128xi32, #tpu.memory_space<hbm>>
      %dma_start3A_243 = arith.constant 0 : i32
      %dma_start3A_244 = arith.constant 0 : i32
      %dma_start3A_245 = tpu.memref_slice %arg8[%add3A, %dma_start3A_243, %dma_start3A_244] : memref<32x12x128xi32, #tpu.memory_space<hbm>> -> memref<1x12x128xi32, #tpu.memory_space<hbm>>
      %dma_start3A_246 = tpu.memref_squeeze %dma_start3A_245 : memref<1x12x128xi32, #tpu.memory_space<hbm>> -> memref<12x128xi32, #tpu.memory_space<hbm>>
      tpu.enqueue_dma source(%dma_start3A_246 : memref<12x128xi32, #tpu.memory_space<hbm>>) target(%arg10 : memref<12x128xi32, #tpu.memory_space<vmem>>) target_semaphore(%run_scoped3A : memref<!tpu.dma_semaphore, #tpu.memory_space<semaphore_mem>>)
      %dma_wait3A_247 = arith.constant 0 : i32
      %dma_wait3A_248 = arith.constant 0 : i32
      %dma_wait3A_249 = tpu.memref_slice %arg8[%add3A, %dma_wait3A_247, %dma_wait3A_248] : memref<32x12x128xi32, #tpu.memory_space<hbm>> -> memref<1x12x128xi32, #tpu.memory_space<hbm>>
      %dma_wait3A_250 = tpu.memref_squeeze %dma_wait3A_249 : memref<1x12x128xi32, #tpu.memory_space<hbm>> -> memref<12x128xi32, #tpu.memory_space<hbm>>
      %dma_wait3A_251 = arith.constant 0 : i32
      %dma_wait3A_252 = arith.constant 0 : i32
      %dma_wait3A_253 = tpu.memref_slice %arg8[%add3A, %dma_wait3A_251, %dma_wait3A_252] : memref<32x12x128xi32, #tpu.memory_space<hbm>> -> memref<1x12x128xi32, #tpu.memory_space<hbm>>
      %dma_wait3A_254 = tpu.memref_squeeze %dma_wait3A_253 : memref<1x12x128xi32, #tpu.memory_space<hbm>> -> memref<12x128xi32, #tpu.memory_space<hbm>>
      tpu.wait_dma2 semaphore(%run_scoped3A : memref<!tpu.dma_semaphore, #tpu.memory_space<semaphore_mem>>) src(%dma_wait3A_254 : memref<12x128xi32, #tpu.memory_space<hbm>>) dst(%arg10 : memref<12x128xi32, #tpu.memory_space<vmem>>)
      tpu.yield
    }) : () -> ()
    %dma_start3A = arith.constant 0 : i32
    %dma_start3A_1 = arith.constant 0 : i32
    %dma_start3A_2 = arith.constant 0 : i32
    %dma_start3A_3 = tpu.memref_slice %arg11[%dma_start3A_1, %dma_start3A_2] : memref<12x128xf32, #tpu.memory_space<vmem>> -> memref<1x128xf32, #tpu.memory_space<vmem>>
    %dma_start3A_4 = tpu.memref_squeeze %dma_start3A_3 : memref<1x128xf32, #tpu.memory_space<vmem>> -> memref<128xf32, #tpu.memory_space<vmem>>
    %dma_start3A_5 = arith.constant 0 : i32
    %dma_start3A_6 = tpu.memref_slice %arg10[%dma_start3A, %dma_start3A_5] : memref<12x128xi32, #tpu.memory_space<vmem>> -> memref<1x128xi32, #tpu.memory_space<vmem>>
    %dma_start3A_7 = tpu.memref_squeeze %dma_start3A_6 : memref<1x128xi32, #tpu.memory_space<vmem>> -> memref<128xi32, #tpu.memory_space<vmem>>
    %dma_start3A_8 = arith.constant 0 : i32
    %dma_start3A_9 = tpu.memref_slice %arg2[%dma_start3A_8] : memref<3932160xf32, #tpu.memory_space<hbm>> -> memref<3932160xf32, #tpu.memory_space<hbm>>
    tpu.enqueue_indirect_dma source(%dma_start3A_9 : memref<3932160xf32, #tpu.memory_space<hbm>>) target(%dma_start3A_4 : memref<128xf32, #tpu.memory_space<vmem>>) offsets(%dma_start3A_7 : memref<128xi32, #tpu.memory_space<vmem>>) semaphore(%arg12 : memref<!tpu.dma_semaphore, #tpu.memory_space<semaphore_mem>>)
    %dma_start3A_10 = arith.constant 1 : i32
    %dma_start3A_11 = arith.constant 1 : i32
    %dma_start3A_12 = arith.constant 0 : i32
    %dma_start3A_13 = tpu.memref_slice %arg11[%dma_start3A_11, %dma_start3A_12] : memref<12x128xf32, #tpu.memory_space<vmem>> -> memref<1x128xf32, #tpu.memory_space<vmem>>
    %dma_start3A_14 = tpu.memref_squeeze %dma_start3A_13 : memref<1x128xf32, #tpu.memory_space<vmem>> -> memref<128xf32, #tpu.memory_space<vmem>>
    %dma_start3A_15 = arith.constant 0 : i32
    %dma_start3A_16 = tpu.memref_slice %arg10[%dma_start3A_10, %dma_start3A_15] : memref<12x128xi32, #tpu.memory_space<vmem>> -> memref<1x128xi32, #tpu.memory_space<vmem>>
    %dma_start3A_17 = tpu.memref_squeeze %dma_start3A_16 : memref<1x128xi32, #tpu.memory_space<vmem>> -> memref<128xi32, #tpu.memory_space<vmem>>
    %dma_start3A_18 = arith.constant 0 : i32
    %dma_start3A_19 = tpu.memref_slice %arg2[%dma_start3A_18] : memref<3932160xf32, #tpu.memory_space<hbm>> -> memref<3932160xf32, #tpu.memory_space<hbm>>
    tpu.enqueue_indirect_dma source(%dma_start3A_19 : memref<3932160xf32, #tpu.memory_space<hbm>>) target(%dma_start3A_14 : memref<128xf32, #tpu.memory_space<vmem>>) offsets(%dma_start3A_17 : memref<128xi32, #tpu.memory_space<vmem>>) semaphore(%arg12 : memref<!tpu.dma_semaphore, #tpu.memory_space<semaphore_mem>>)
    %dma_start3A_20 = arith.constant 2 : i32
    %dma_start3A_21 = arith.constant 2 : i32
    %dma_start3A_22 = arith.constant 0 : i32
    %dma_start3A_23 = tpu.memref_slice %arg11[%dma_start3A_21, %dma_start3A_22] : memref<12x128xf32, #tpu.memory_space<vmem>> -> memref<1x128xf32, #tpu.memory_space<vmem>>
    %dma_start3A_24 = tpu.memref_squeeze %dma_start3A_23 : memref<1x128xf32, #tpu.memory_space<vmem>> -> memref<128xf32, #tpu.memory_space<vmem>>
    %dma_start3A_25 = arith.constant 0 : i32
    %dma_start3A_26 = tpu.memref_slice %arg10[%dma_start3A_20, %dma_start3A_25] : memref<12x128xi32, #tpu.memory_space<vmem>> -> memref<1x128xi32, #tpu.memory_space<vmem>>
    %dma_start3A_27 = tpu.memref_squeeze %dma_start3A_26 : memref<1x128xi32, #tpu.memory_space<vmem>> -> memref<128xi32, #tpu.memory_space<vmem>>
    %dma_start3A_28 = arith.constant 0 : i32
    %dma_start3A_29 = tpu.memref_slice %arg3[%dma_start3A_28] : memref<3932160xf32, #tpu.memory_space<hbm>> -> memref<3932160xf32, #tpu.memory_space<hbm>>
    tpu.enqueue_indirect_dma source(%dma_start3A_29 : memref<3932160xf32, #tpu.memory_space<hbm>>) target(%dma_start3A_24 : memref<128xf32, #tpu.memory_space<vmem>>) offsets(%dma_start3A_27 : memref<128xi32, #tpu.memory_space<vmem>>) semaphore(%arg12 : memref<!tpu.dma_semaphore, #tpu.memory_space<semaphore_mem>>)
    %dma_start3A_30 = arith.constant 3 : i32
    %dma_start3A_31 = arith.constant 3 : i32
    %dma_start3A_32 = arith.constant 0 : i32
    %dma_start3A_33 = tpu.memref_slice %arg11[%dma_start3A_31, %dma_start3A_32] : memref<12x128xf32, #tpu.memory_space<vmem>> -> memref<1x128xf32, #tpu.memory_space<vmem>>
    %dma_start3A_34 = tpu.memref_squeeze %dma_start3A_33 : memref<1x128xf32, #tpu.memory_space<vmem>> -> memref<128xf32, #tpu.memory_space<vmem>>
    %dma_start3A_35 = arith.constant 0 : i32
    %dma_start3A_36 = tpu.memref_slice %arg10[%dma_start3A_30, %dma_start3A_35] : memref<12x128xi32, #tpu.memory_space<vmem>> -> memref<1x128xi32, #tpu.memory_space<vmem>>
    %dma_start3A_37 = tpu.memref_squeeze %dma_start3A_36 : memref<1x128xi32, #tpu.memory_space<vmem>> -> memref<128xi32, #tpu.memory_space<vmem>>
    %dma_start3A_38 = arith.constant 0 : i32
    %dma_start3A_39 = tpu.memref_slice %arg3[%dma_start3A_38] : memref<3932160xf32, #tpu.memory_space<hbm>> -> memref<3932160xf32, #tpu.memory_space<hbm>>
    tpu.enqueue_indirect_dma source(%dma_start3A_39 : memref<3932160xf32, #tpu.memory_space<hbm>>) target(%dma_start3A_34 : memref<128xf32, #tpu.memory_space<vmem>>) offsets(%dma_start3A_37 : memref<128xi32, #tpu.memory_space<vmem>>) semaphore(%arg12 : memref<!tpu.dma_semaphore, #tpu.memory_space<semaphore_mem>>)
    %dma_start3A_40 = arith.constant 4 : i32
    %dma_start3A_41 = arith.constant 4 : i32
    %dma_start3A_42 = arith.constant 0 : i32
    %dma_start3A_43 = tpu.memref_slice %arg11[%dma_start3A_41, %dma_start3A_42] : memref<12x128xf32, #tpu.memory_space<vmem>> -> memref<1x128xf32, #tpu.memory_space<vmem>>
    %dma_start3A_44 = tpu.memref_squeeze %dma_start3A_43 : memref<1x128xf32, #tpu.memory_space<vmem>> -> memref<128xf32, #tpu.memory_space<vmem>>
    %dma_start3A_45 = arith.constant 0 : i32
    %dma_start3A_46 = tpu.memref_slice %arg10[%dma_start3A_40, %dma_start3A_45] : memref<12x128xi32, #tpu.memory_space<vmem>> -> memref<1x128xi32, #tpu.memory_space<vmem>>
    %dma_start3A_47 = tpu.memref_squeeze %dma_start3A_46 : memref<1x128xi32, #tpu.memory_space<vmem>> -> memref<128xi32, #tpu.memory_space<vmem>>
    %dma_start3A_48 = arith.constant 0 : i32
    %dma_start3A_49 = tpu.memref_slice %arg4[%dma_start3A_48] : memref<5898240xf32, #tpu.memory_space<hbm>> -> memref<5898240xf32, #tpu.memory_space<hbm>>
    tpu.enqueue_indirect_dma source(%dma_start3A_49 : memref<5898240xf32, #tpu.memory_space<hbm>>) target(%dma_start3A_44 : memref<128xf32, #tpu.memory_space<vmem>>) offsets(%dma_start3A_47 : memref<128xi32, #tpu.memory_space<vmem>>) semaphore(%arg12 : memref<!tpu.dma_semaphore, #tpu.memory_space<semaphore_mem>>)
    %dma_start3A_50 = arith.constant 5 : i32
    %dma_start3A_51 = arith.constant 5 : i32
    %dma_start3A_52 = arith.constant 0 : i32
    %dma_start3A_53 = tpu.memref_slice %arg11[%dma_start3A_51, %dma_start3A_52] : memref<12x128xf32, #tpu.memory_space<vmem>> -> memref<1x128xf32, #tpu.memory_space<vmem>>
    %dma_start3A_54 = tpu.memref_squeeze %dma_start3A_53 : memref<1x128xf32, #tpu.memory_space<vmem>> -> memref<128xf32, #tpu.memory_space<vmem>>
    %dma_start3A_55 = arith.constant 0 : i32
    %dma_start3A_56 = tpu.memref_slice %arg10[%dma_start3A_50, %dma_start3A_55] : memref<12x128xi32, #tpu.memory_space<vmem>> -> memref<1x128xi32, #tpu.memory_space<vmem>>
    %dma_start3A_57 = tpu.memref_squeeze %dma_start3A_56 : memref<1x128xi32, #tpu.memory_space<vmem>> -> memref<128xi32, #tpu.memory_space<vmem>>
    %dma_start3A_58 = arith.constant 0 : i32
    %dma_start3A_59 = tpu.memref_slice %arg4[%dma_start3A_58] : memref<5898240xf32, #tpu.memory_space<hbm>> -> memref<5898240xf32, #tpu.memory_space<hbm>>
    tpu.enqueue_indirect_dma source(%dma_start3A_59 : memref<5898240xf32, #tpu.memory_space<hbm>>) target(%dma_start3A_54 : memref<128xf32, #tpu.memory_space<vmem>>) offsets(%dma_start3A_57 : memref<128xi32, #tpu.memory_space<vmem>>) semaphore(%arg12 : memref<!tpu.dma_semaphore, #tpu.memory_space<semaphore_mem>>)
    %dma_start3A_60 = arith.constant 6 : i32
    %dma_start3A_61 = arith.constant 6 : i32
    %dma_start3A_62 = arith.constant 0 : i32
    %dma_start3A_63 = tpu.memref_slice %arg11[%dma_start3A_61, %dma_start3A_62] : memref<12x128xf32, #tpu.memory_space<vmem>> -> memref<1x128xf32, #tpu.memory_space<vmem>>
    %dma_start3A_64 = tpu.memref_squeeze %dma_start3A_63 : memref<1x128xf32, #tpu.memory_space<vmem>> -> memref<128xf32, #tpu.memory_space<vmem>>
    %dma_start3A_65 = arith.constant 0 : i32
    %dma_start3A_66 = tpu.memref_slice %arg10[%dma_start3A_60, %dma_start3A_65] : memref<12x128xi32, #tpu.memory_space<vmem>> -> memref<1x128xi32, #tpu.memory_space<vmem>>
    %dma_start3A_67 = tpu.memref_squeeze %dma_start3A_66 : memref<1x128xi32, #tpu.memory_space<vmem>> -> memref<128xi32, #tpu.memory_space<vmem>>
    %dma_start3A_68 = arith.constant 0 : i32
    %dma_start3A_69 = tpu.memref_slice %arg4[%dma_start3A_68] : memref<5898240xf32, #tpu.memory_space<hbm>> -> memref<5898240xf32, #tpu.memory_space<hbm>>
    tpu.enqueue_indirect_dma source(%dma_start3A_69 : memref<5898240xf32, #tpu.memory_space<hbm>>) target(%dma_start3A_64 : memref<128xf32, #tpu.memory_space<vmem>>) offsets(%dma_start3A_67 : memref<128xi32, #tpu.memory_space<vmem>>) semaphore(%arg12 : memref<!tpu.dma_semaphore, #tpu.memory_space<semaphore_mem>>)
    %dma_start3A_70 = arith.constant 7 : i32
    %dma_start3A_71 = arith.constant 7 : i32
    %dma_start3A_72 = arith.constant 0 : i32
    %dma_start3A_73 = tpu.memref_slice %arg11[%dma_start3A_71, %dma_start3A_72] : memref<12x128xf32, #tpu.memory_space<vmem>> -> memref<1x128xf32, #tpu.memory_space<vmem>>
    %dma_start3A_74 = tpu.memref_squeeze %dma_start3A_73 : memref<1x128xf32, #tpu.memory_space<vmem>> -> memref<128xf32, #tpu.memory_space<vmem>>
    %dma_start3A_75 = arith.constant 0 : i32
    %dma_start3A_76 = tpu.memref_slice %arg10[%dma_start3A_70, %dma_start3A_75] : memref<12x128xi32, #tpu.memory_space<vmem>> -> memref<1x128xi32, #tpu.memory_space<vmem>>
    %dma_start3A_77 = tpu.memref_squeeze %dma_start3A_76 : memref<1x128xi32, #tpu.memory_space<vmem>> -> memref<128xi32, #tpu.memory_space<vmem>>
    %dma_start3A_78 = arith.constant 0 : i32
    %dma_start3A_79 = tpu.memref_slice %arg5[%dma_start3A_78] : memref<1966080xf32, #tpu.memory_space<hbm>> -> memref<1966080xf32, #tpu.memory_space<hbm>>
    tpu.enqueue_indirect_dma source(%dma_start3A_79 : memref<1966080xf32, #tpu.memory_space<hbm>>) target(%dma_start3A_74 : memref<128xf32, #tpu.memory_space<vmem>>) offsets(%dma_start3A_77 : memref<128xi32, #tpu.memory_space<vmem>>) semaphore(%arg12 : memref<!tpu.dma_semaphore, #tpu.memory_space<semaphore_mem>>)
    %dma_start3A_80 = arith.constant 8 : i32
    %dma_start3A_81 = arith.constant 8 : i32
    %dma_start3A_82 = arith.constant 0 : i32
    %dma_start3A_83 = tpu.memref_slice %arg11[%dma_start3A_81, %dma_start3A_82] : memref<12x128xf32, #tpu.memory_space<vmem>> -> memref<1x128xf32, #tpu.memory_space<vmem>>
    %dma_start3A_84 = tpu.memref_squeeze %dma_start3A_83 : memref<1x128xf32, #tpu.memory_space<vmem>> -> memref<128xf32, #tpu.memory_space<vmem>>
    %dma_start3A_85 = arith.constant 0 : i32
    %dma_start3A_86 = tpu.memref_slice %arg10[%dma_start3A_80, %dma_start3A_85] : memref<12x128xi32, #tpu.memory_space<vmem>> -> memref<1x128xi32, #tpu.memory_space<vmem>>
    %dma_start3A_87 = tpu.memref_squeeze %dma_start3A_86 : memref<1x128xi32, #tpu.memory_space<vmem>> -> memref<128xi32, #tpu.memory_space<vmem>>
    %dma_start3A_88 = arith.constant 0 : i32
    %dma_start3A_89 = tpu.memref_slice %arg6[%dma_start3A_88] : memref<3932160xf32, #tpu.memory_space<hbm>> -> memref<3932160xf32, #tpu.memory_space<hbm>>
    tpu.enqueue_indirect_dma source(%dma_start3A_89 : memref<3932160xf32, #tpu.memory_space<hbm>>) target(%dma_start3A_84 : memref<128xf32, #tpu.memory_space<vmem>>) offsets(%dma_start3A_87 : memref<128xi32, #tpu.memory_space<vmem>>) semaphore(%arg12 : memref<!tpu.dma_semaphore, #tpu.memory_space<semaphore_mem>>)
    %dma_start3A_90 = arith.constant 9 : i32
    %dma_start3A_91 = arith.constant 9 : i32
    %dma_start3A_92 = arith.constant 0 : i32
    %dma_start3A_93 = tpu.memref_slice %arg11[%dma_start3A_91, %dma_start3A_92] : memref<12x128xf32, #tpu.memory_space<vmem>> -> memref<1x128xf32, #tpu.memory_space<vmem>>
    %dma_start3A_94 = tpu.memref_squeeze %dma_start3A_93 : memref<1x128xf32, #tpu.memory_space<vmem>> -> memref<128xf32, #tpu.memory_space<vmem>>
    %dma_start3A_95 = arith.constant 0 : i32
    %dma_start3A_96 = tpu.memref_slice %arg10[%dma_start3A_90, %dma_start3A_95] : memref<12x128xi32, #tpu.memory_space<vmem>> -> memref<1x128xi32, #tpu.memory_space<vmem>>
    %dma_start3A_97 = tpu.memref_squeeze %dma_start3A_96 : memref<1x128xi32, #tpu.memory_space<vmem>> -> memref<128xi32, #tpu.memory_space<vmem>>
    %dma_start3A_98 = arith.constant 0 : i32
    %dma_start3A_99 = tpu.memref_slice %arg6[%dma_start3A_98] : memref<3932160xf32, #tpu.memory_space<hbm>> -> memref<3932160xf32, #tpu.memory_space<hbm>>
    tpu.enqueue_indirect_dma source(%dma_start3A_99 : memref<3932160xf32, #tpu.memory_space<hbm>>) target(%dma_start3A_94 : memref<128xf32, #tpu.memory_space<vmem>>) offsets(%dma_start3A_97 : memref<128xi32, #tpu.memory_space<vmem>>) semaphore(%arg12 : memref<!tpu.dma_semaphore, #tpu.memory_space<semaphore_mem>>)
    %dma_start3A_100 = arith.constant 10 : i32
    %dma_start3A_101 = arith.constant 10 : i32
    %dma_start3A_102 = arith.constant 0 : i32
    %dma_start3A_103 = tpu.memref_slice %arg11[%dma_start3A_101, %dma_start3A_102] : memref<12x128xf32, #tpu.memory_space<vmem>> -> memref<1x128xf32, #tpu.memory_space<vmem>>
    %dma_start3A_104 = tpu.memref_squeeze %dma_start3A_103 : memref<1x128xf32, #tpu.memory_space<vmem>> -> memref<128xf32, #tpu.memory_space<vmem>>
    %dma_start3A_105 = arith.constant 0 : i32
    %dma_start3A_106 = tpu.memref_slice %arg10[%dma_start3A_100, %dma_start3A_105] : memref<12x128xi32, #tpu.memory_space<vmem>> -> memref<1x128xi32, #tpu.memory_space<vmem>>
    %dma_start3A_107 = tpu.memref_squeeze %dma_start3A_106 : memref<1x128xi32, #tpu.memory_space<vmem>> -> memref<128xi32, #tpu.memory_space<vmem>>
    %dma_start3A_108 = arith.constant 0 : i32
    %dma_start3A_109 = tpu.memref_slice %arg7[%dma_start3A_108] : memref<3932160xf32, #tpu.memory_space<hbm>> -> memref<3932160xf32, #tpu.memory_space<hbm>>
    tpu.enqueue_indirect_dma source(%dma_start3A_109 : memref<3932160xf32, #tpu.memory_space<hbm>>) target(%dma_start3A_104 : memref<128xf32, #tpu.memory_space<vmem>>) offsets(%dma_start3A_107 : memref<128xi32, #tpu.memory_space<vmem>>) semaphore(%arg12 : memref<!tpu.dma_semaphore, #tpu.memory_space<semaphore_mem>>)
    %dma_start3A_110 = arith.constant 11 : i32
    %dma_start3A_111 = arith.constant 11 : i32
    %dma_start3A_112 = arith.constant 0 : i32
    %dma_start3A_113 = tpu.memref_slice %arg11[%dma_start3A_111, %dma_start3A_112] : memref<12x128xf32, #tpu.memory_space<vmem>> -> memref<1x128xf32, #tpu.memory_space<vmem>>
    %dma_start3A_114 = tpu.memref_squeeze %dma_start3A_113 : memref<1x128xf32, #tpu.memory_space<vmem>> -> memref<128xf32, #tpu.memory_space<vmem>>
    %dma_start3A_115 = arith.constant 0 : i32
    %dma_start3A_116 = tpu.memref_slice %arg10[%dma_start3A_110, %dma_start3A_115] : memref<12x128xi32, #tpu.memory_space<vmem>> -> memref<1x128xi32, #tpu.memory_space<vmem>>
    %dma_start3A_117 = tpu.memref_squeeze %dma_start3A_116 : memref<1x128xi32, #tpu.memory_space<vmem>> -> memref<128xi32, #tpu.memory_space<vmem>>
    %dma_start3A_118 = arith.constant 0 : i32
    %dma_start3A_119 = tpu.memref_slice %arg7[%dma_start3A_118] : memref<3932160xf32, #tpu.memory_space<hbm>> -> memref<3932160xf32, #tpu.memory_space<hbm>>
    tpu.enqueue_indirect_dma source(%dma_start3A_119 : memref<3932160xf32, #tpu.memory_space<hbm>>) target(%dma_start3A_114 : memref<128xf32, #tpu.memory_space<vmem>>) offsets(%dma_start3A_117 : memref<128xi32, #tpu.memory_space<vmem>>) semaphore(%arg12 : memref<!tpu.dma_semaphore, #tpu.memory_space<semaphore_mem>>)
    %dma_wait3A = arith.constant 0 : i32
    %dma_wait3A_120 = arith.constant 0 : i32
    %dma_wait3A_121 = arith.constant 0 : i32
    %dma_wait3A_122 = tpu.memref_slice %arg11[%dma_wait3A_120, %dma_wait3A_121] : memref<12x128xf32, #tpu.memory_space<vmem>> -> memref<1x128xf32, #tpu.memory_space<vmem>>
    %dma_wait3A_123 = tpu.memref_squeeze %dma_wait3A_122 : memref<1x128xf32, #tpu.memory_space<vmem>> -> memref<128xf32, #tpu.memory_space<vmem>>
    %dma_wait3A_124 = arith.constant 0 : i32
    %dma_wait3A_125 = tpu.memref_slice %arg10[%dma_wait3A, %dma_wait3A_124] : memref<12x128xi32, #tpu.memory_space<vmem>> -> memref<1x128xi32, #tpu.memory_space<vmem>>
    %dma_wait3A_126 = tpu.memref_squeeze %dma_wait3A_125 : memref<1x128xi32, #tpu.memory_space<vmem>> -> memref<128xi32, #tpu.memory_space<vmem>>
    %dma_wait3A_127 = arith.constant 0 : i32
    %dma_wait3A_128 = tpu.memref_slice %arg2[%dma_wait3A_127] : memref<3932160xf32, #tpu.memory_space<hbm>> -> memref<3932160xf32, #tpu.memory_space<hbm>>
    tpu.wait_indirect_dma semaphore(%arg12 : memref<!tpu.dma_semaphore, #tpu.memory_space<semaphore_mem>>) src(%dma_wait3A_128 : memref<3932160xf32, #tpu.memory_space<hbm>>) dst(%dma_wait3A_123 : memref<128xf32, #tpu.memory_space<vmem>>)
    %dma_wait3A_129 = arith.constant 1 : i32
    %dma_wait3A_130 = arith.constant 1 : i32
    %dma_wait3A_131 = arith.constant 0 : i32
    %dma_wait3A_132 = tpu.memref_slice %arg11[%dma_wait3A_130, %dma_wait3A_131] : memref<12x128xf32, #tpu.memory_space<vmem>> -> memref<1x128xf32, #tpu.memory_space<vmem>>
    %dma_wait3A_133 = tpu.memref_squeeze %dma_wait3A_132 : memref<1x128xf32, #tpu.memory_space<vmem>> -> memref<128xf32, #tpu.memory_space<vmem>>
    %dma_wait3A_134 = arith.constant 0 : i32
    %dma_wait3A_135 = tpu.memref_slice %arg10[%dma_wait3A_129, %dma_wait3A_134] : memref<12x128xi32, #tpu.memory_space<vmem>> -> memref<1x128xi32, #tpu.memory_space<vmem>>
    %dma_wait3A_136 = tpu.memref_squeeze %dma_wait3A_135 : memref<1x128xi32, #tpu.memory_space<vmem>> -> memref<128xi32, #tpu.memory_space<vmem>>
    %dma_wait3A_137 = arith.constant 0 : i32
    %dma_wait3A_138 = tpu.memref_slice %arg2[%dma_wait3A_137] : memref<3932160xf32, #tpu.memory_space<hbm>> -> memref<3932160xf32, #tpu.memory_space<hbm>>
    tpu.wait_indirect_dma semaphore(%arg12 : memref<!tpu.dma_semaphore, #tpu.memory_space<semaphore_mem>>) src(%dma_wait3A_138 : memref<3932160xf32, #tpu.memory_space<hbm>>) dst(%dma_wait3A_133 : memref<128xf32, #tpu.memory_space<vmem>>)
    %dma_wait3A_139 = arith.constant 2 : i32
    %dma_wait3A_140 = arith.constant 2 : i32
    %dma_wait3A_141 = arith.constant 0 : i32
    %dma_wait3A_142 = tpu.memref_slice %arg11[%dma_wait3A_140, %dma_wait3A_141] : memref<12x128xf32, #tpu.memory_space<vmem>> -> memref<1x128xf32, #tpu.memory_space<vmem>>
    %dma_wait3A_143 = tpu.memref_squeeze %dma_wait3A_142 : memref<1x128xf32, #tpu.memory_space<vmem>> -> memref<128xf32, #tpu.memory_space<vmem>>
    %dma_wait3A_144 = arith.constant 0 : i32
    %dma_wait3A_145 = tpu.memref_slice %arg10[%dma_wait3A_139, %dma_wait3A_144] : memref<12x128xi32, #tpu.memory_space<vmem>> -> memref<1x128xi32, #tpu.memory_space<vmem>>
    %dma_wait3A_146 = tpu.memref_squeeze %dma_wait3A_145 : memref<1x128xi32, #tpu.memory_space<vmem>> -> memref<128xi32, #tpu.memory_space<vmem>>
    %dma_wait3A_147 = arith.constant 0 : i32
    %dma_wait3A_148 = tpu.memref_slice %arg3[%dma_wait3A_147] : memref<3932160xf32, #tpu.memory_space<hbm>> -> memref<3932160xf32, #tpu.memory_space<hbm>>
    tpu.wait_indirect_dma semaphore(%arg12 : memref<!tpu.dma_semaphore, #tpu.memory_space<semaphore_mem>>) src(%dma_wait3A_148 : memref<3932160xf32, #tpu.memory_space<hbm>>) dst(%dma_wait3A_143 : memref<128xf32, #tpu.memory_space<vmem>>)
    %dma_wait3A_149 = arith.constant 3 : i32
    %dma_wait3A_150 = arith.constant 3 : i32
    %dma_wait3A_151 = arith.constant 0 : i32
    %dma_wait3A_152 = tpu.memref_slice %arg11[%dma_wait3A_150, %dma_wait3A_151] : memref<12x128xf32, #tpu.memory_space<vmem>> -> memref<1x128xf32, #tpu.memory_space<vmem>>
    %dma_wait3A_153 = tpu.memref_squeeze %dma_wait3A_152 : memref<1x128xf32, #tpu.memory_space<vmem>> -> memref<128xf32, #tpu.memory_space<vmem>>
    %dma_wait3A_154 = arith.constant 0 : i32
    %dma_wait3A_155 = tpu.memref_slice %arg10[%dma_wait3A_149, %dma_wait3A_154] : memref<12x128xi32, #tpu.memory_space<vmem>> -> memref<1x128xi32, #tpu.memory_space<vmem>>
    %dma_wait3A_156 = tpu.memref_squeeze %dma_wait3A_155 : memref<1x128xi32, #tpu.memory_space<vmem>> -> memref<128xi32, #tpu.memory_space<vmem>>
    %dma_wait3A_157 = arith.constant 0 : i32
    %dma_wait3A_158 = tpu.memref_slice %arg3[%dma_wait3A_157] : memref<3932160xf32, #tpu.memory_space<hbm>> -> memref<3932160xf32, #tpu.memory_space<hbm>>
    tpu.wait_indirect_dma semaphore(%arg12 : memref<!tpu.dma_semaphore, #tpu.memory_space<semaphore_mem>>) src(%dma_wait3A_158 : memref<3932160xf32, #tpu.memory_space<hbm>>) dst(%dma_wait3A_153 : memref<128xf32, #tpu.memory_space<vmem>>)
    %dma_wait3A_159 = arith.constant 4 : i32
    %dma_wait3A_160 = arith.constant 4 : i32
    %dma_wait3A_161 = arith.constant 0 : i32
    %dma_wait3A_162 = tpu.memref_slice %arg11[%dma_wait3A_160, %dma_wait3A_161] : memref<12x128xf32, #tpu.memory_space<vmem>> -> memref<1x128xf32, #tpu.memory_space<vmem>>
    %dma_wait3A_163 = tpu.memref_squeeze %dma_wait3A_162 : memref<1x128xf32, #tpu.memory_space<vmem>> -> memref<128xf32, #tpu.memory_space<vmem>>
    %dma_wait3A_164 = arith.constant 0 : i32
    %dma_wait3A_165 = tpu.memref_slice %arg10[%dma_wait3A_159, %dma_wait3A_164] : memref<12x128xi32, #tpu.memory_space<vmem>> -> memref<1x128xi32, #tpu.memory_space<vmem>>
    %dma_wait3A_166 = tpu.memref_squeeze %dma_wait3A_165 : memref<1x128xi32, #tpu.memory_space<vmem>> -> memref<128xi32, #tpu.memory_space<vmem>>
    %dma_wait3A_167 = arith.constant 0 : i32
    %dma_wait3A_168 = tpu.memref_slice %arg4[%dma_wait3A_167] : memref<5898240xf32, #tpu.memory_space<hbm>> -> memref<5898240xf32, #tpu.memory_space<hbm>>
    tpu.wait_indirect_dma semaphore(%arg12 : memref<!tpu.dma_semaphore, #tpu.memory_space<semaphore_mem>>) src(%dma_wait3A_168 : memref<5898240xf32, #tpu.memory_space<hbm>>) dst(%dma_wait3A_163 : memref<128xf32, #tpu.memory_space<vmem>>)
    %dma_wait3A_169 = arith.constant 5 : i32
    %dma_wait3A_170 = arith.constant 5 : i32
    %dma_wait3A_171 = arith.constant 0 : i32
    %dma_wait3A_172 = tpu.memref_slice %arg11[%dma_wait3A_170, %dma_wait3A_171] : memref<12x128xf32, #tpu.memory_space<vmem>> -> memref<1x128xf32, #tpu.memory_space<vmem>>
    %dma_wait3A_173 = tpu.memref_squeeze %dma_wait3A_172 : memref<1x128xf32, #tpu.memory_space<vmem>> -> memref<128xf32, #tpu.memory_space<vmem>>
    %dma_wait3A_174 = arith.constant 0 : i32
    %dma_wait3A_175 = tpu.memref_slice %arg10[%dma_wait3A_169, %dma_wait3A_174] : memref<12x128xi32, #tpu.memory_space<vmem>> -> memref<1x128xi32, #tpu.memory_space<vmem>>
    %dma_wait3A_176 = tpu.memref_squeeze %dma_wait3A_175 : memref<1x128xi32, #tpu.memory_space<vmem>> -> memref<128xi32, #tpu.memory_space<vmem>>
    %dma_wait3A_177 = arith.constant 0 : i32
    %dma_wait3A_178 = tpu.memref_slice %arg4[%dma_wait3A_177] : memref<5898240xf32, #tpu.memory_space<hbm>> -> memref<5898240xf32, #tpu.memory_space<hbm>>
    tpu.wait_indirect_dma semaphore(%arg12 : memref<!tpu.dma_semaphore, #tpu.memory_space<semaphore_mem>>) src(%dma_wait3A_178 : memref<5898240xf32, #tpu.memory_space<hbm>>) dst(%dma_wait3A_173 : memref<128xf32, #tpu.memory_space<vmem>>)
    %dma_wait3A_179 = arith.constant 6 : i32
    %dma_wait3A_180 = arith.constant 6 : i32
    %dma_wait3A_181 = arith.constant 0 : i32
    %dma_wait3A_182 = tpu.memref_slice %arg11[%dma_wait3A_180, %dma_wait3A_181] : memref<12x128xf32, #tpu.memory_space<vmem>> -> memref<1x128xf32, #tpu.memory_space<vmem>>
    %dma_wait3A_183 = tpu.memref_squeeze %dma_wait3A_182 : memref<1x128xf32, #tpu.memory_space<vmem>> -> memref<128xf32, #tpu.memory_space<vmem>>
    %dma_wait3A_184 = arith.constant 0 : i32
    %dma_wait3A_185 = tpu.memref_slice %arg10[%dma_wait3A_179, %dma_wait3A_184] : memref<12x128xi32, #tpu.memory_space<vmem>> -> memref<1x128xi32, #tpu.memory_space<vmem>>
    %dma_wait3A_186 = tpu.memref_squeeze %dma_wait3A_185 : memref<1x128xi32, #tpu.memory_space<vmem>> -> memref<128xi32, #tpu.memory_space<vmem>>
    %dma_wait3A_187 = arith.constant 0 : i32
    %dma_wait3A_188 = tpu.memref_slice %arg4[%dma_wait3A_187] : memref<5898240xf32, #tpu.memory_space<hbm>> -> memref<5898240xf32, #tpu.memory_space<hbm>>
    tpu.wait_indirect_dma semaphore(%arg12 : memref<!tpu.dma_semaphore, #tpu.memory_space<semaphore_mem>>) src(%dma_wait3A_188 : memref<5898240xf32, #tpu.memory_space<hbm>>) dst(%dma_wait3A_183 : memref<128xf32, #tpu.memory_space<vmem>>)
    %dma_wait3A_189 = arith.constant 7 : i32
    %dma_wait3A_190 = arith.constant 7 : i32
    %dma_wait3A_191 = arith.constant 0 : i32
    %dma_wait3A_192 = tpu.memref_slice %arg11[%dma_wait3A_190, %dma_wait3A_191] : memref<12x128xf32, #tpu.memory_space<vmem>> -> memref<1x128xf32, #tpu.memory_space<vmem>>
    %dma_wait3A_193 = tpu.memref_squeeze %dma_wait3A_192 : memref<1x128xf32, #tpu.memory_space<vmem>> -> memref<128xf32, #tpu.memory_space<vmem>>
    %dma_wait3A_194 = arith.constant 0 : i32
    %dma_wait3A_195 = tpu.memref_slice %arg10[%dma_wait3A_189, %dma_wait3A_194] : memref<12x128xi32, #tpu.memory_space<vmem>> -> memref<1x128xi32, #tpu.memory_space<vmem>>
    %dma_wait3A_196 = tpu.memref_squeeze %dma_wait3A_195 : memref<1x128xi32, #tpu.memory_space<vmem>> -> memref<128xi32, #tpu.memory_space<vmem>>
    %dma_wait3A_197 = arith.constant 0 : i32
    %dma_wait3A_198 = tpu.memref_slice %arg5[%dma_wait3A_197] : memref<1966080xf32, #tpu.memory_space<hbm>> -> memref<1966080xf32, #tpu.memory_space<hbm>>
    tpu.wait_indirect_dma semaphore(%arg12 : memref<!tpu.dma_semaphore, #tpu.memory_space<semaphore_mem>>) src(%dma_wait3A_198 : memref<1966080xf32, #tpu.memory_space<hbm>>) dst(%dma_wait3A_193 : memref<128xf32, #tpu.memory_space<vmem>>)
    %dma_wait3A_199 = arith.constant 8 : i32
    %dma_wait3A_200 = arith.constant 8 : i32
    %dma_wait3A_201 = arith.constant 0 : i32
    %dma_wait3A_202 = tpu.memref_slice %arg11[%dma_wait3A_200, %dma_wait3A_201] : memref<12x128xf32, #tpu.memory_space<vmem>> -> memref<1x128xf32, #tpu.memory_space<vmem>>
    %dma_wait3A_203 = tpu.memref_squeeze %dma_wait3A_202 : memref<1x128xf32, #tpu.memory_space<vmem>> -> memref<128xf32, #tpu.memory_space<vmem>>
    %dma_wait3A_204 = arith.constant 0 : i32
    %dma_wait3A_205 = tpu.memref_slice %arg10[%dma_wait3A_199, %dma_wait3A_204] : memref<12x128xi32, #tpu.memory_space<vmem>> -> memref<1x128xi32, #tpu.memory_space<vmem>>
    %dma_wait3A_206 = tpu.memref_squeeze %dma_wait3A_205 : memref<1x128xi32, #tpu.memory_space<vmem>> -> memref<128xi32, #tpu.memory_space<vmem>>
    %dma_wait3A_207 = arith.constant 0 : i32
    %dma_wait3A_208 = tpu.memref_slice %arg6[%dma_wait3A_207] : memref<3932160xf32, #tpu.memory_space<hbm>> -> memref<3932160xf32, #tpu.memory_space<hbm>>
    tpu.wait_indirect_dma semaphore(%arg12 : memref<!tpu.dma_semaphore, #tpu.memory_space<semaphore_mem>>) src(%dma_wait3A_208 : memref<3932160xf32, #tpu.memory_space<hbm>>) dst(%dma_wait3A_203 : memref<128xf32, #tpu.memory_space<vmem>>)
    %dma_wait3A_209 = arith.constant 9 : i32
    %dma_wait3A_210 = arith.constant 9 : i32
    %dma_wait3A_211 = arith.constant 0 : i32
    %dma_wait3A_212 = tpu.memref_slice %arg11[%dma_wait3A_210, %dma_wait3A_211] : memref<12x128xf32, #tpu.memory_space<vmem>> -> memref<1x128xf32, #tpu.memory_space<vmem>>
    %dma_wait3A_213 = tpu.memref_squeeze %dma_wait3A_212 : memref<1x128xf32, #tpu.memory_space<vmem>> -> memref<128xf32, #tpu.memory_space<vmem>>
    %dma_wait3A_214 = arith.constant 0 : i32
    %dma_wait3A_215 = tpu.memref_slice %arg10[%dma_wait3A_209, %dma_wait3A_214] : memref<12x128xi32, #tpu.memory_space<vmem>> -> memref<1x128xi32, #tpu.memory_space<vmem>>
    %dma_wait3A_216 = tpu.memref_squeeze %dma_wait3A_215 : memref<1x128xi32, #tpu.memory_space<vmem>> -> memref<128xi32, #tpu.memory_space<vmem>>
    %dma_wait3A_217 = arith.constant 0 : i32
    %dma_wait3A_218 = tpu.memref_slice %arg6[%dma_wait3A_217] : memref<3932160xf32, #tpu.memory_space<hbm>> -> memref<3932160xf32, #tpu.memory_space<hbm>>
    tpu.wait_indirect_dma semaphore(%arg12 : memref<!tpu.dma_semaphore, #tpu.memory_space<semaphore_mem>>) src(%dma_wait3A_218 : memref<3932160xf32, #tpu.memory_space<hbm>>) dst(%dma_wait3A_213 : memref<128xf32, #tpu.memory_space<vmem>>)
    %dma_wait3A_219 = arith.constant 10 : i32
    %dma_wait3A_220 = arith.constant 10 : i32
    %dma_wait3A_221 = arith.constant 0 : i32
    %dma_wait3A_222 = tpu.memref_slice %arg11[%dma_wait3A_220, %dma_wait3A_221] : memref<12x128xf32, #tpu.memory_space<vmem>> -> memref<1x128xf32, #tpu.memory_space<vmem>>
    %dma_wait3A_223 = tpu.memref_squeeze %dma_wait3A_222 : memref<1x128xf32, #tpu.memory_space<vmem>> -> memref<128xf32, #tpu.memory_space<vmem>>
    %dma_wait3A_224 = arith.constant 0 : i32
    %dma_wait3A_225 = tpu.memref_slice %arg10[%dma_wait3A_219, %dma_wait3A_224] : memref<12x128xi32, #tpu.memory_space<vmem>> -> memref<1x128xi32, #tpu.memory_space<vmem>>
    %dma_wait3A_226 = tpu.memref_squeeze %dma_wait3A_225 : memref<1x128xi32, #tpu.memory_space<vmem>> -> memref<128xi32, #tpu.memory_space<vmem>>
    %dma_wait3A_227 = arith.constant 0 : i32
    %dma_wait3A_228 = tpu.memref_slice %arg7[%dma_wait3A_227] : memref<3932160xf32, #tpu.memory_space<hbm>> -> memref<3932160xf32, #tpu.memory_space<hbm>>
    tpu.wait_indirect_dma semaphore(%arg12 : memref<!tpu.dma_semaphore, #tpu.memory_space<semaphore_mem>>) src(%dma_wait3A_228 : memref<3932160xf32, #tpu.memory_space<hbm>>) dst(%dma_wait3A_223 : memref<128xf32, #tpu.memory_space<vmem>>)
    %dma_wait3A_229 = arith.constant 11 : i32
    %dma_wait3A_230 = arith.constant 11 : i32
    %dma_wait3A_231 = arith.constant 0 : i32
    %dma_wait3A_232 = tpu.memref_slice %arg11[%dma_wait3A_230, %dma_wait3A_231] : memref<12x128xf32, #tpu.memory_space<vmem>> -> memref<1x128xf32, #tpu.memory_space<vmem>>
    %dma_wait3A_233 = tpu.memref_squeeze %dma_wait3A_232 : memref<1x128xf32, #tpu.memory_space<vmem>> -> memref<128xf32, #tpu.memory_space<vmem>>
    %dma_wait3A_234 = arith.constant 0 : i32
    %dma_wait3A_235 = tpu.memref_slice %arg10[%dma_wait3A_229, %dma_wait3A_234] : memref<12x128xi32, #tpu.memory_space<vmem>> -> memref<1x128xi32, #tpu.memory_space<vmem>>
    %dma_wait3A_236 = tpu.memref_squeeze %dma_wait3A_235 : memref<1x128xi32, #tpu.memory_space<vmem>> -> memref<128xi32, #tpu.memory_space<vmem>>
    %dma_wait3A_237 = arith.constant 0 : i32
    %dma_wait3A_238 = tpu.memref_slice %arg7[%dma_wait3A_237] : memref<3932160xf32, #tpu.memory_space<hbm>> -> memref<3932160xf32, #tpu.memory_space<hbm>>
    tpu.wait_indirect_dma semaphore(%arg12 : memref<!tpu.dma_semaphore, #tpu.memory_space<semaphore_mem>>) src(%dma_wait3A_238 : memref<3932160xf32, #tpu.memory_space<hbm>>) dst(%dma_wait3A_233 : memref<128xf32, #tpu.memory_space<vmem>>)
    "tpu.region"() ({
      %run_scoped3A = tpu.sem_alloc : memref<!tpu.dma_semaphore, #tpu.memory_space<semaphore_mem>>
      %dma_start3A_239 = arith.constant 0 : i32
      %dma_start3A_240 = arith.constant 0 : i32
      %dma_start3A_241 = tpu.memref_slice %arg9[%add3A, %dma_start3A_239, %dma_start3A_240] : memref<32x12x128xf32, #tpu.memory_space<hbm>> -> memref<1x12x128xf32, #tpu.memory_space<hbm>>
      %dma_start3A_242 = tpu.memref_squeeze %dma_start3A_241 : memref<1x12x128xf32, #tpu.memory_space<hbm>> -> memref<12x128xf32, #tpu.memory_space<hbm>>
      %dma_start3A_243 = arith.constant 0 : i32
      %dma_start3A_244 = arith.constant 0 : i32
      %dma_start3A_245 = tpu.memref_slice %arg9[%add3A, %dma_start3A_243, %dma_start3A_244] : memref<32x12x128xf32, #tpu.memory_space<hbm>> -> memref<1x12x128xf32, #tpu.memory_space<hbm>>
      %dma_start3A_246 = tpu.memref_squeeze %dma_start3A_245 : memref<1x12x128xf32, #tpu.memory_space<hbm>> -> memref<12x128xf32, #tpu.memory_space<hbm>>
      tpu.enqueue_dma source(%arg11 : memref<12x128xf32, #tpu.memory_space<vmem>>) target(%dma_start3A_246 : memref<12x128xf32, #tpu.memory_space<hbm>>) target_semaphore(%run_scoped3A : memref<!tpu.dma_semaphore, #tpu.memory_space<semaphore_mem>>)
      %dma_wait3A_247 = arith.constant 0 : i32
      %dma_wait3A_248 = arith.constant 0 : i32
      %dma_wait3A_249 = tpu.memref_slice %arg9[%add3A, %dma_wait3A_247, %dma_wait3A_248] : memref<32x12x128xf32, #tpu.memory_space<hbm>> -> memref<1x12x128xf32, #tpu.memory_space<hbm>>
      %dma_wait3A_250 = tpu.memref_squeeze %dma_wait3A_249 : memref<1x12x128xf32, #tpu.memory_space<hbm>> -> memref<12x128xf32, #tpu.memory_space<hbm>>
      %dma_wait3A_251 = arith.constant 0 : i32
      %dma_wait3A_252 = arith.constant 0 : i32
      %dma_wait3A_253 = tpu.memref_slice %arg9[%add3A, %dma_wait3A_251, %dma_wait3A_252] : memref<32x12x128xf32, #tpu.memory_space<hbm>> -> memref<1x12x128xf32, #tpu.memory_space<hbm>>
      %dma_wait3A_254 = tpu.memref_squeeze %dma_wait3A_253 : memref<1x12x128xf32, #tpu.memory_space<hbm>> -> memref<12x128xf32, #tpu.memory_space<hbm>>
      tpu.wait_dma2 semaphore(%run_scoped3A : memref<!tpu.dma_semaphore, #tpu.memory_space<semaphore_mem>>) src(%arg11 : memref<12x128xf32, #tpu.memory_space<vmem>>) dst(%dma_wait3A_254 : memref<12x128xf32, #tpu.memory_space<hbm>>)
      tpu.yield
    }) : () -> ()
    return
  }
}

module attributes {stable_mosaic.version = 14 : i64} {
  func.func @body(%arg0: i32, %arg1: memref<2304x320xf32, #tpu.memory_space<vmem>>, %arg2: memref<2304x320xf32, #tpu.memory_space<vmem>>, %arg3: memref<1x1xf32, #tpu.memory_space<vmem>>, %arg4: memref<1x1xf32, #tpu.memory_space<vmem>>, %arg5: memref<1x1xf32, #tpu.memory_space<vmem>>) attributes {dimension_semantics = [#tpu.dimension_semantics<arbitrary>], iteration_bounds = array<i64: 8>, scalar_prefetch = 0 : i64, scratch_operands = 0 : i64, tpu.core_type = #tpu.core_type<tc>, window_params = [{transform_indices = @transform_0, window_bounds = array<i64: 2304, 320>}, {transform_indices = @transform_1, window_bounds = array<i64: 2304, 320>}, {pipeline_mode = #tpu.pipeline_mode<synchronous>, transform_indices = @transform_2, window_bounds = array<i64: 1, 1>}, {pipeline_mode = #tpu.pipeline_mode<synchronous>, transform_indices = @transform_3, window_bounds = array<i64: 1, 1>}, {pipeline_mode = #tpu.pipeline_mode<synchronous>, transform_indices = @transform_4, window_bounds = array<i64: 1, 1>}]} {
    %get3A = arith.constant 0 : index
    %get3A_0 = arith.constant 0 : index
    %get3A_1 = vector.load %arg1[%get3A, %get3A_0] : memref<2304x320xf32, #tpu.memory_space<vmem>>, vector<2304x320xf32>
    %get3A_2 = arith.constant 0 : index
    %get3A_3 = arith.constant 0 : index
    %get3A_4 = vector.load %arg2[%get3A_2, %get3A_3] : memref<2304x320xf32, #tpu.memory_space<vmem>>, vector<2304x320xf32>
    %logistic3A = arith.negf %get3A_1 : vector<2304x320xf32>
    %logistic3A_5 = math.exp %logistic3A : vector<2304x320xf32>
    %logistic3A_6 = arith.constant 1.000000e+00 : f32
    %logistic3A_7 = vector.broadcast %logistic3A_6 : f32 to vector<2304x320xf32>
    %logistic3A_8 = arith.addf %logistic3A_7, %logistic3A_5 : vector<2304x320xf32>
    %logistic3A_9 = arith.divf %logistic3A_7, %logistic3A_8 : vector<2304x320xf32>
    %jit3A = arith.constant 9.99999974E-5 : f32
    %jit3A_10 = arith.constant 0.999899983 : f32
    %max3A = vector.broadcast %jit3A : f32 to vector<2304x320xf32>
    %max3A_11 = arith.maximumf %max3A, %logistic3A_9 : vector<2304x320xf32>
    %min3A = vector.broadcast %jit3A_10 : f32 to vector<2304x320xf32>
    %min3A_12 = arith.minimumf %min3A, %max3A_11 : vector<2304x320xf32>
    %eq3A = arith.constant 1.000000e+00 : f32
    %eq3A_13 = vector.broadcast %eq3A : f32 to vector<2304x320xf32>
    %eq3A_14 = arith.cmpf oeq, %get3A_4, %eq3A_13 : vector<2304x320xf32>
    %convert_element_type3A = arith.extui %eq3A_14 : vector<2304x320xi1> to vector<2304x320xi32>
    %convert_element_type3A_15 = arith.sitofp %convert_element_type3A : vector<2304x320xi32> to vector<2304x320xf32>
    %lt3A = arith.constant 1.000000e+00 : f32
    %lt3A_16 = vector.broadcast %lt3A : f32 to vector<2304x320xf32>
    %lt3A_17 = arith.cmpf olt, %get3A_4, %lt3A_16 : vector<2304x320xf32>
    %convert_element_type3A_18 = arith.extui %lt3A_17 : vector<2304x320xi1> to vector<2304x320xi32>
    %convert_element_type3A_19 = arith.sitofp %convert_element_type3A_18 : vector<2304x320xi32> to vector<2304x320xf32>
    %sub3A = arith.constant 1.000000e+00 : f32
    %sub3A_20 = vector.broadcast %sub3A : f32 to vector<2304x320xf32>
    %sub3A_21 = arith.subf %sub3A_20, %get3A_4 : vector<2304x320xf32>
    %square3A = arith.mulf %sub3A_21, %sub3A_21 : vector<2304x320xf32>
    %mul3A = arith.mulf %square3A, %square3A : vector<2304x320xf32>
    %log3A = math.log %min3A_12 : vector<2304x320xf32>
    %sub3A_22 = arith.constant 1.000000e+00 : f32
    %sub3A_23 = vector.broadcast %sub3A_22 : f32 to vector<2304x320xf32>
    %sub3A_24 = arith.subf %sub3A_23, %min3A_12 : vector<2304x320xf32>
    %square3A_25 = arith.mulf %sub3A_24, %sub3A_24 : vector<2304x320xf32>
    %mul3A_26 = arith.mulf %log3A, %square3A_25 : vector<2304x320xf32>
    %mul3A_27 = arith.mulf %mul3A_26, %convert_element_type3A_15 : vector<2304x320xf32>
    %reduce_sum3A = vector.shape_cast %mul3A_27 : vector<2304x320xf32> to vector<1x2304x320xf32>
    %reduce_sum3A_28 = arith.constant dense<0.000000e+00> : vector<1xf32>
    %reduce_sum3A_29 = vector.multi_reduction <add>, %reduce_sum3A, %reduce_sum3A_28 [1, 2] : vector<1x2304x320xf32> to vector<1xf32>
    %reduce_sum3A_30 = vector.shape_cast %reduce_sum3A_29 : vector<1xf32> to vector<1x1x1xf32>
    %reduce_sum3A_31 = vector.extract %reduce_sum3A_30[0, 0, 0] : f32 from vector<1x1x1xf32>
    %sub3A_32 = arith.constant 1.000000e+00 : f32
    %sub3A_33 = vector.broadcast %sub3A_32 : f32 to vector<2304x320xf32>
    %sub3A_34 = arith.subf %sub3A_33, %min3A_12 : vector<2304x320xf32>
    %log3A_35 = math.log %sub3A_34 : vector<2304x320xf32>
    %square3A_36 = arith.mulf %min3A_12, %min3A_12 : vector<2304x320xf32>
    %mul3A_37 = arith.mulf %log3A_35, %square3A_36 : vector<2304x320xf32>
    %mul3A_38 = arith.mulf %mul3A_37, %mul3A : vector<2304x320xf32>
    %mul3A_39 = arith.mulf %mul3A_38, %convert_element_type3A_19 : vector<2304x320xf32>
    %reduce_sum3A_40 = vector.shape_cast %mul3A_39 : vector<2304x320xf32> to vector<1x2304x320xf32>
    %reduce_sum3A_41 = arith.constant dense<0.000000e+00> : vector<1xf32>
    %reduce_sum3A_42 = vector.multi_reduction <add>, %reduce_sum3A_40, %reduce_sum3A_41 [1, 2] : vector<1x2304x320xf32> to vector<1xf32>
    %reduce_sum3A_43 = vector.shape_cast %reduce_sum3A_42 : vector<1xf32> to vector<1x1x1xf32>
    %reduce_sum3A_44 = vector.extract %reduce_sum3A_43[0, 0, 0] : f32 from vector<1x1x1xf32>
    %reduce_sum3A_45 = vector.shape_cast %convert_element_type3A_15 : vector<2304x320xf32> to vector<1x2304x320xf32>
    %reduce_sum3A_46 = arith.constant dense<0.000000e+00> : vector<1xf32>
    %reduce_sum3A_47 = vector.multi_reduction <add>, %reduce_sum3A_45, %reduce_sum3A_46 [1, 2] : vector<1x2304x320xf32> to vector<1xf32>
    %reduce_sum3A_48 = vector.shape_cast %reduce_sum3A_47 : vector<1xf32> to vector<1x1x1xf32>
    %reduce_sum3A_49 = vector.extract %reduce_sum3A_48[0, 0, 0] : f32 from vector<1x1x1xf32>
    %eq3A_50 = arith.constant 0 : i32
    %eq3A_51 = arith.cmpi eq, %arg0, %eq3A_50 : i32
    %convert_element_type3A_52 = arith.extui %eq3A_51 : i1 to i32
    %cond3A = arith.constant 0 : i32
    %cond3A_53 = arith.cmpi ne, %convert_element_type3A_52, %cond3A : i32
    scf.if %cond3A_53 {
      %reshape3A = vector.broadcast %reduce_sum3A_31 : f32 to vector<1x1xf32>
      %swap3A = arith.constant 0 : index
      %swap3A_58 = arith.constant 0 : index
      %swap3A_59 = vector.load %arg3[%swap3A, %swap3A_58] : memref<1x1xf32, #tpu.memory_space<vmem>>, vector<1x1xf32>
      tpu.vector_store %arg3[%swap3A, %swap3A_58], %reshape3A {strides = array<i32>} : memref<1x1xf32, #tpu.memory_space<vmem>>, vector<1x1xf32>,
      %reshape3A_60 = vector.broadcast %reduce_sum3A_44 : f32 to vector<1x1xf32>
      %swap3A_61 = arith.constant 0 : index
      %swap3A_62 = arith.constant 0 : index
      %swap3A_63 = vector.load %arg4[%swap3A_61, %swap3A_62] : memref<1x1xf32, #tpu.memory_space<vmem>>, vector<1x1xf32>
      tpu.vector_store %arg4[%swap3A_61, %swap3A_62], %reshape3A_60 {strides = array<i32>} : memref<1x1xf32, #tpu.memory_space<vmem>>, vector<1x1xf32>,
      %reshape3A_64 = vector.broadcast %reduce_sum3A_49 : f32 to vector<1x1xf32>
      %swap3A_65 = arith.constant 0 : index
      %swap3A_66 = arith.constant 0 : index
      %swap3A_67 = vector.load %arg5[%swap3A_65, %swap3A_66] : memref<1x1xf32, #tpu.memory_space<vmem>>, vector<1x1xf32>
      tpu.vector_store %arg5[%swap3A_65, %swap3A_66], %reshape3A_64 {strides = array<i32>} : memref<1x1xf32, #tpu.memory_space<vmem>>, vector<1x1xf32>,
    } else {
    }
    %ne3A = arith.constant 0 : i32
    %ne3A_54 = arith.cmpi ne, %arg0, %ne3A : i32
    %convert_element_type3A_55 = arith.extui %ne3A_54 : i1 to i32
    %cond3A_56 = arith.constant 0 : i32
    %cond3A_57 = arith.cmpi ne, %convert_element_type3A_55, %cond3A_56 : i32
    scf.if %cond3A_57 {
      %get3A_58 = arith.constant 0 : index
      %get3A_59 = arith.constant 0 : index
      %get3A_60 = vector.load %arg3[%get3A_58, %get3A_59] : memref<1x1xf32, #tpu.memory_space<vmem>>, vector<1x1xf32>
      %reshape3A = vector.broadcast %reduce_sum3A_31 : f32 to vector<1x1xf32>
      %add3A = arith.addf %get3A_60, %reshape3A : vector<1x1xf32>
      %swap3A = arith.constant 0 : index
      %swap3A_61 = arith.constant 0 : index
      %swap3A_62 = vector.load %arg3[%swap3A, %swap3A_61] : memref<1x1xf32, #tpu.memory_space<vmem>>, vector<1x1xf32>
      tpu.vector_store %arg3[%swap3A, %swap3A_61], %add3A {strides = array<i32>} : memref<1x1xf32, #tpu.memory_space<vmem>>, vector<1x1xf32>,
      %get3A_63 = arith.constant 0 : index
      %get3A_64 = arith.constant 0 : index
      %get3A_65 = vector.load %arg4[%get3A_63, %get3A_64] : memref<1x1xf32, #tpu.memory_space<vmem>>, vector<1x1xf32>
      %reshape3A_66 = vector.broadcast %reduce_sum3A_44 : f32 to vector<1x1xf32>
      %add3A_67 = arith.addf %get3A_65, %reshape3A_66 : vector<1x1xf32>
      %swap3A_68 = arith.constant 0 : index
      %swap3A_69 = arith.constant 0 : index
      %swap3A_70 = vector.load %arg4[%swap3A_68, %swap3A_69] : memref<1x1xf32, #tpu.memory_space<vmem>>, vector<1x1xf32>
      tpu.vector_store %arg4[%swap3A_68, %swap3A_69], %add3A_67 {strides = array<i32>} : memref<1x1xf32, #tpu.memory_space<vmem>>, vector<1x1xf32>,
      %get3A_71 = arith.constant 0 : index
      %get3A_72 = arith.constant 0 : index
      %get3A_73 = vector.load %arg5[%get3A_71, %get3A_72] : memref<1x1xf32, #tpu.memory_space<vmem>>, vector<1x1xf32>
      %reshape3A_74 = vector.broadcast %reduce_sum3A_49 : f32 to vector<1x1xf32>
      %add3A_75 = arith.addf %get3A_73, %reshape3A_74 : vector<1x1xf32>
      %swap3A_76 = arith.constant 0 : index
      %swap3A_77 = arith.constant 0 : index
      %swap3A_78 = vector.load %arg5[%swap3A_76, %swap3A_77] : memref<1x1xf32, #tpu.memory_space<vmem>>, vector<1x1xf32>
      tpu.vector_store %arg5[%swap3A_76, %swap3A_77], %add3A_75 {strides = array<i32>} : memref<1x1xf32, #tpu.memory_space<vmem>>, vector<1x1xf32>,
    } else {
    }
    return
  }
  func.func @transform_0(%arg0: i32) -> (i32, i32) {
    %c0_i32 = arith.constant 0 : i32
    %c0_i32_0 = arith.constant 0 : i32
    return %arg0, %c0_i32 : i32, i32
  }
  func.func @transform_1(%arg0: i32) -> (i32, i32) {
    %c0_i32 = arith.constant 0 : i32
    %c0_i32_0 = arith.constant 0 : i32
    return %arg0, %c0_i32 : i32, i32
  }
  func.func @transform_2(%arg0: i32) -> (i32, i32) {
    %c0_i32 = arith.constant 0 : i32
    %c0_i32_0 = arith.constant 0 : i32
    %c0_i32_1 = arith.constant 0 : i32
    return %c0_i32, %c0_i32_0 : i32, i32
  }
  func.func @transform_3(%arg0: i32) -> (i32, i32) {
    %c0_i32 = arith.constant 0 : i32
    %c0_i32_0 = arith.constant 0 : i32
    %c0_i32_1 = arith.constant 0 : i32
    return %c0_i32, %c0_i32_0 : i32, i32
  }
  func.func @transform_4(%arg0: i32) -> (i32, i32) {
    %c0_i32 = arith.constant 0 : i32
    %c0_i32_0 = arith.constant 0 : i32
    %c0_i32_1 = arith.constant 0 : i32
    return %c0_i32, %c0_i32_0 : i32, i32
  }
}

module attributes {stable_mosaic.version = 14 : i64} {
  func.func @body(%arg0: memref<16x4096xf32, #tpu.memory_space<vmem>>, %arg1: memref<32x4096xf32, #tpu.memory_space<vmem>>, %arg2: memref<1x1xf32, #tpu.memory_space<vmem>>, %arg3: memref<1x1xf32, #tpu.memory_space<vmem>>, %arg4: memref<1x1xf32, #tpu.memory_space<vmem>>, %arg5: memref<1x1xf32, #tpu.memory_space<vmem>>, %arg6: memref<1x1xf32, #tpu.memory_space<vmem>>, %arg7: memref<1x1xf32, #tpu.memory_space<vmem>>) attributes {dimension_semantics = [], scalar_prefetch = 0 : i64, scratch_operands = 0 : i64, tpu.core_type = #tpu.core_type<tc>} {
    %get3A = arith.constant 0 : index
    %get3A_0 = arith.constant 0 : index
    %get3A_1 = vector.load %arg0[%get3A, %get3A_0] : memref<16x4096xf32, #tpu.memory_space<vmem>>, vector<16x4096xf32>
    %get3A_2 = arith.constant 0 : index
    %get3A_3 = arith.constant 0 : index
    %get3A_4 = vector.load %arg1[%get3A_2, %get3A_3] : memref<32x4096xf32, #tpu.memory_space<vmem>>, vector<32x4096xf32>
    %slice3A = vector.extract_strided_slice %get3A_4 {offsets = [0, 0], sizes = [1, 4096], strides = [1, 1]} : vector<32x4096xf32> to vector<1x4096xf32>
    %slice3A_5 = vector.extract_strided_slice %get3A_4 {offsets = [1, 0], sizes = [1, 4096], strides = [1, 1]} : vector<32x4096xf32> to vector<1x4096xf32>
    %slice3A_6 = vector.extract_strided_slice %get3A_4 {offsets = [2, 0], sizes = [1, 4096], strides = [1, 1]} : vector<32x4096xf32> to vector<1x4096xf32>
    %slice3A_7 = vector.extract_strided_slice %get3A_1 {offsets = [0, 0], sizes = [1, 4096], strides = [1, 1]} : vector<16x4096xf32> to vector<1x4096xf32>
    %slice3A_8 = vector.extract_strided_slice %get3A_4 {offsets = [3, 0], sizes = [1, 4096], strides = [1, 1]} : vector<32x4096xf32> to vector<1x4096xf32>
    %sub3A = arith.subf %slice3A_7, %slice3A_8 : vector<1x4096xf32>
    %abs3A = math.absf %sub3A : vector<1x4096xf32>
    %slice3A_9 = vector.extract_strided_slice %get3A_1 {offsets = [1, 0], sizes = [1, 4096], strides = [1, 1]} : vector<16x4096xf32> to vector<1x4096xf32>
    %slice3A_10 = vector.extract_strided_slice %get3A_4 {offsets = [4, 0], sizes = [1, 4096], strides = [1, 1]} : vector<32x4096xf32> to vector<1x4096xf32>
    %sub3A_11 = arith.subf %slice3A_9, %slice3A_10 : vector<1x4096xf32>
    %abs3A_12 = math.absf %sub3A_11 : vector<1x4096xf32>
    %add3A = arith.addf %abs3A, %abs3A_12 : vector<1x4096xf32>
    %mul3A = arith.mulf %add3A, %slice3A_6 : vector<1x4096xf32>
    %reduce_sum3A = vector.shape_cast %mul3A : vector<1x4096xf32> to vector<1x1x4096xf32>
    %reduce_sum3A_13 = arith.constant dense<0.000000e+00> : vector<1xf32>
    %reduce_sum3A_14 = vector.multi_reduction <add>, %reduce_sum3A, %reduce_sum3A_13 [1, 2] : vector<1x1x4096xf32> to vector<1xf32>
    %reduce_sum3A_15 = vector.shape_cast %reduce_sum3A_14 : vector<1xf32> to vector<1x1x1xf32>
    %reduce_sum3A_16 = vector.extract %reduce_sum3A_15[0, 0, 0] : f32 from vector<1x1x1xf32>
    %slice3A_17 = vector.extract_strided_slice %get3A_1 {offsets = [2, 0], sizes = [1, 4096], strides = [1, 1]} : vector<16x4096xf32> to vector<1x4096xf32>
    %slice3A_18 = vector.extract_strided_slice %get3A_4 {offsets = [5, 0], sizes = [1, 4096], strides = [1, 1]} : vector<32x4096xf32> to vector<1x4096xf32>
    %sub3A_19 = arith.subf %slice3A_17, %slice3A_18 : vector<1x4096xf32>
    %abs3A_20 = math.absf %sub3A_19 : vector<1x4096xf32>
    %slice3A_21 = vector.extract_strided_slice %get3A_1 {offsets = [3, 0], sizes = [1, 4096], strides = [1, 1]} : vector<16x4096xf32> to vector<1x4096xf32>
    %slice3A_22 = vector.extract_strided_slice %get3A_4 {offsets = [6, 0], sizes = [1, 4096], strides = [1, 1]} : vector<32x4096xf32> to vector<1x4096xf32>
    %sub3A_23 = arith.subf %slice3A_21, %slice3A_22 : vector<1x4096xf32>
    %abs3A_24 = math.absf %sub3A_23 : vector<1x4096xf32>
    %add3A_25 = arith.addf %abs3A_20, %abs3A_24 : vector<1x4096xf32>
    %mul3A_26 = arith.mulf %add3A_25, %slice3A_6 : vector<1x4096xf32>
    %reduce_sum3A_27 = vector.shape_cast %mul3A_26 : vector<1x4096xf32> to vector<1x1x4096xf32>
    %reduce_sum3A_28 = arith.constant dense<0.000000e+00> : vector<1xf32>
    %reduce_sum3A_29 = vector.multi_reduction <add>, %reduce_sum3A_27, %reduce_sum3A_28 [1, 2] : vector<1x1x4096xf32> to vector<1xf32>
    %reduce_sum3A_30 = vector.shape_cast %reduce_sum3A_29 : vector<1xf32> to vector<1x1x1xf32>
    %reduce_sum3A_31 = vector.extract %reduce_sum3A_30[0, 0, 0] : f32 from vector<1x1x1xf32>
    %slice3A_32 = vector.extract_strided_slice %get3A_1 {offsets = [4, 0], sizes = [1, 4096], strides = [1, 1]} : vector<16x4096xf32> to vector<1x4096xf32>
    %exp3A = math.exp %slice3A_32 : vector<1x4096xf32>
    %mul3A_33 = arith.constant 1.630000e+00 : f32
    %mul3A_34 = vector.broadcast %mul3A_33 : f32 to vector<1x4096xf32>
    %mul3A_35 = arith.mulf %exp3A, %mul3A_34 : vector<1x4096xf32>
    %slice3A_36 = vector.extract_strided_slice %get3A_1 {offsets = [5, 0], sizes = [1, 4096], strides = [1, 1]} : vector<16x4096xf32> to vector<1x4096xf32>
    %exp3A_37 = math.exp %slice3A_36 : vector<1x4096xf32>
    %mul3A_38 = arith.constant 1.530000e+00 : f32
    %mul3A_39 = vector.broadcast %mul3A_38 : f32 to vector<1x4096xf32>
    %mul3A_40 = arith.mulf %exp3A_37, %mul3A_39 : vector<1x4096xf32>
    %slice3A_41 = vector.extract_strided_slice %get3A_1 {offsets = [6, 0], sizes = [1, 4096], strides = [1, 1]} : vector<16x4096xf32> to vector<1x4096xf32>
    %exp3A_42 = math.exp %slice3A_41 : vector<1x4096xf32>
    %mul3A_43 = arith.constant 3.880000e+00 : f32
    %mul3A_44 = vector.broadcast %mul3A_43 : f32 to vector<1x4096xf32>
    %mul3A_45 = arith.mulf %exp3A_42, %mul3A_44 : vector<1x4096xf32>
    %slice3A_46 = vector.extract_strided_slice %get3A_4 {offsets = [7, 0], sizes = [1, 4096], strides = [1, 1]} : vector<32x4096xf32> to vector<1x4096xf32>
    %sub3A_47 = arith.subf %mul3A_35, %slice3A_46 : vector<1x4096xf32>
    %abs3A_48 = math.absf %sub3A_47 : vector<1x4096xf32>
    %slice3A_49 = vector.extract_strided_slice %get3A_4 {offsets = [8, 0], sizes = [1, 4096], strides = [1, 1]} : vector<32x4096xf32> to vector<1x4096xf32>
    %sub3A_50 = arith.subf %mul3A_40, %slice3A_49 : vector<1x4096xf32>
    %abs3A_51 = math.absf %sub3A_50 : vector<1x4096xf32>
    %add3A_52 = arith.addf %abs3A_48, %abs3A_51 : vector<1x4096xf32>
    %slice3A_53 = vector.extract_strided_slice %get3A_4 {offsets = [9, 0], sizes = [1, 4096], strides = [1, 1]} : vector<32x4096xf32> to vector<1x4096xf32>
    %sub3A_54 = arith.subf %mul3A_45, %slice3A_53 : vector<1x4096xf32>
    %abs3A_55 = math.absf %sub3A_54 : vector<1x4096xf32>
    %add3A_56 = arith.addf %add3A_52, %abs3A_55 : vector<1x4096xf32>
    %mul3A_57 = arith.mulf %add3A_56, %slice3A_6 : vector<1x4096xf32>
    %reduce_sum3A_58 = vector.shape_cast %mul3A_57 : vector<1x4096xf32> to vector<1x1x4096xf32>
    %reduce_sum3A_59 = arith.constant dense<0.000000e+00> : vector<1xf32>
    %reduce_sum3A_60 = vector.multi_reduction <add>, %reduce_sum3A_58, %reduce_sum3A_59 [1, 2] : vector<1x1x4096xf32> to vector<1xf32>
    %reduce_sum3A_61 = vector.shape_cast %reduce_sum3A_60 : vector<1xf32> to vector<1x1x1xf32>
    %reduce_sum3A_62 = vector.extract %reduce_sum3A_61[0, 0, 0] : f32 from vector<1x1x1xf32>
    %slice3A_63 = vector.extract_strided_slice %get3A_1 {offsets = [7, 0], sizes = [1, 4096], strides = [1, 1]} : vector<16x4096xf32> to vector<1x4096xf32>
    %mul3A_64 = arith.constant 1.632000e+01 : f32
    %mul3A_65 = vector.broadcast %mul3A_64 : f32 to vector<1x4096xf32>
    %mul3A_66 = arith.mulf %slice3A_63, %mul3A_65 : vector<1x4096xf32>
    %add3A_67 = arith.constant 2.801000e+01 : f32
    %add3A_68 = vector.broadcast %add3A_67 : f32 to vector<1x4096xf32>
    %add3A_69 = arith.addf %mul3A_66, %add3A_68 : vector<1x4096xf32>
    %slice3A_70 = vector.extract_strided_slice %get3A_1 {offsets = [8, 0], sizes = [1, 4096], strides = [1, 1]} : vector<16x4096xf32> to vector<1x4096xf32>
    %add3A_71 = arith.addf %slice3A, %slice3A_70 : vector<1x4096xf32>
    %slice3A_72 = vector.extract_strided_slice %get3A_4 {offsets = [14, 0], sizes = [1, 4096], strides = [1, 1]} : vector<32x4096xf32> to vector<1x4096xf32>
    %mul3A_73 = arith.mulf %add3A_71, %slice3A_72 : vector<1x4096xf32>
    %mul3A_74 = arith.mulf %mul3A_73, %add3A_69 : vector<1x4096xf32>
    %slice3A_75 = vector.extract_strided_slice %get3A_1 {offsets = [9, 0], sizes = [1, 4096], strides = [1, 1]} : vector<16x4096xf32> to vector<1x4096xf32>
    %add3A_76 = arith.addf %slice3A_5, %slice3A_75 : vector<1x4096xf32>
    %slice3A_77 = vector.extract_strided_slice %get3A_4 {offsets = [15, 0], sizes = [1, 4096], strides = [1, 1]} : vector<32x4096xf32> to vector<1x4096xf32>
    %mul3A_78 = arith.mulf %add3A_76, %slice3A_77 : vector<1x4096xf32>
    %mul3A_79 = arith.mulf %mul3A_78, %add3A_69 : vector<1x4096xf32>
    %slice3A_80 = vector.extract_strided_slice %get3A_4 {offsets = [16, 0], sizes = [1, 4096], strides = [1, 1]} : vector<32x4096xf32> to vector<1x4096xf32>
    %slice3A_81 = vector.extract_strided_slice %get3A_4 {offsets = [17, 0], sizes = [1, 4096], strides = [1, 1]} : vector<32x4096xf32> to vector<1x4096xf32>
    %slice3A_82 = vector.extract_strided_slice %get3A_4 {offsets = [18, 0], sizes = [1, 4096], strides = [1, 1]} : vector<32x4096xf32> to vector<1x4096xf32>
    %slice3A_83 = vector.extract_strided_slice %get3A_4 {offsets = [19, 0], sizes = [1, 4096], strides = [1, 1]} : vector<32x4096xf32> to vector<1x4096xf32>
    %slice3A_84 = vector.extract_strided_slice %get3A_4 {offsets = [20, 0], sizes = [1, 4096], strides = [1, 1]} : vector<32x4096xf32> to vector<1x4096xf32>
    %slice3A_85 = vector.extract_strided_slice %get3A_4 {offsets = [21, 0], sizes = [1, 4096], strides = [1, 1]} : vector<32x4096xf32> to vector<1x4096xf32>
    %slice3A_86 = vector.extract_strided_slice %get3A_4 {offsets = [22, 0], sizes = [1, 4096], strides = [1, 1]} : vector<32x4096xf32> to vector<1x4096xf32>
    %slice3A_87 = vector.extract_strided_slice %get3A_4 {offsets = [23, 0], sizes = [1, 4096], strides = [1, 1]} : vector<32x4096xf32> to vector<1x4096xf32>
    %slice3A_88 = vector.extract_strided_slice %get3A_4 {offsets = [24, 0], sizes = [1, 4096], strides = [1, 1]} : vector<32x4096xf32> to vector<1x4096xf32>
    %mul3A_89 = arith.mulf %slice3A_84, %slice3A_88 : vector<1x4096xf32>
    %mul3A_90 = arith.mulf %slice3A_85, %slice3A_87 : vector<1x4096xf32>
    %sub3A_91 = arith.subf %mul3A_89, %mul3A_90 : vector<1x4096xf32>
    %mul3A_92 = arith.mulf %slice3A_85, %slice3A_86 : vector<1x4096xf32>
    %mul3A_93 = arith.mulf %slice3A_83, %slice3A_88 : vector<1x4096xf32>
    %sub3A_94 = arith.subf %mul3A_92, %mul3A_93 : vector<1x4096xf32>
    %mul3A_95 = arith.mulf %slice3A_83, %slice3A_87 : vector<1x4096xf32>
    %mul3A_96 = arith.mulf %slice3A_84, %slice3A_86 : vector<1x4096xf32>
    %sub3A_97 = arith.subf %mul3A_95, %mul3A_96 : vector<1x4096xf32>
    %mul3A_98 = arith.mulf %slice3A_80, %sub3A_91 : vector<1x4096xf32>
    %mul3A_99 = arith.mulf %slice3A_81, %sub3A_94 : vector<1x4096xf32>
    %add3A_100 = arith.addf %mul3A_98, %mul3A_99 : vector<1x4096xf32>
    %mul3A_101 = arith.mulf %slice3A_82, %sub3A_97 : vector<1x4096xf32>
    %add3A_102 = arith.addf %add3A_100, %mul3A_101 : vector<1x4096xf32>
    %div3A = arith.constant 1.000000e+00 : f32
    %div3A_103 = vector.broadcast %div3A : f32 to vector<1x4096xf32>
    %div3A_104 = arith.divf %div3A_103, %add3A_102 : vector<1x4096xf32>
    %mul3A_105 = arith.mulf %sub3A_91, %mul3A_74 : vector<1x4096xf32>
    %mul3A_106 = arith.mulf %slice3A_82, %slice3A_87 : vector<1x4096xf32>
    %mul3A_107 = arith.mulf %slice3A_81, %slice3A_88 : vector<1x4096xf32>
    %sub3A_108 = arith.subf %mul3A_106, %mul3A_107 : vector<1x4096xf32>
    %mul3A_109 = arith.mulf %sub3A_108, %mul3A_79 : vector<1x4096xf32>
    %add3A_110 = arith.addf %mul3A_105, %mul3A_109 : vector<1x4096xf32>
    %mul3A_111 = arith.mulf %slice3A_81, %slice3A_85 : vector<1x4096xf32>
    %mul3A_112 = arith.mulf %slice3A_82, %slice3A_84 : vector<1x4096xf32>
    %sub3A_113 = arith.subf %mul3A_111, %mul3A_112 : vector<1x4096xf32>
    %mul3A_114 = arith.mulf %sub3A_113, %add3A_69 : vector<1x4096xf32>
    %add3A_115 = arith.addf %add3A_110, %mul3A_114 : vector<1x4096xf32>
    %mul3A_116 = arith.mulf %add3A_115, %div3A_104 : vector<1x4096xf32>
    %mul3A_117 = arith.mulf %sub3A_94, %mul3A_74 : vector<1x4096xf32>
    %mul3A_118 = arith.mulf %slice3A_80, %slice3A_88 : vector<1x4096xf32>
    %mul3A_119 = arith.mulf %slice3A_82, %slice3A_86 : vector<1x4096xf32>
    %sub3A_120 = arith.subf %mul3A_118, %mul3A_119 : vector<1x4096xf32>
    %mul3A_121 = arith.mulf %sub3A_120, %mul3A_79 : vector<1x4096xf32>
    %add3A_122 = arith.addf %mul3A_117, %mul3A_121 : vector<1x4096xf32>
    %mul3A_123 = arith.mulf %slice3A_82, %slice3A_83 : vector<1x4096xf32>
    %mul3A_124 = arith.mulf %slice3A_80, %slice3A_85 : vector<1x4096xf32>
    %sub3A_125 = arith.subf %mul3A_123, %mul3A_124 : vector<1x4096xf32>
    %mul3A_126 = arith.mulf %sub3A_125, %add3A_69 : vector<1x4096xf32>
    %add3A_127 = arith.addf %add3A_122, %mul3A_126 : vector<1x4096xf32>
    %mul3A_128 = arith.mulf %add3A_127, %div3A_104 : vector<1x4096xf32>
    %mul3A_129 = arith.mulf %sub3A_97, %mul3A_74 : vector<1x4096xf32>
    %mul3A_130 = arith.mulf %slice3A_81, %slice3A_86 : vector<1x4096xf32>
    %mul3A_131 = arith.mulf %slice3A_80, %slice3A_87 : vector<1x4096xf32>
    %sub3A_132 = arith.subf %mul3A_130, %mul3A_131 : vector<1x4096xf32>
    %mul3A_133 = arith.mulf %sub3A_132, %mul3A_79 : vector<1x4096xf32>
    %add3A_134 = arith.addf %mul3A_129, %mul3A_133 : vector<1x4096xf32>
    %mul3A_135 = arith.mulf %slice3A_80, %slice3A_84 : vector<1x4096xf32>
    %mul3A_136 = arith.mulf %slice3A_81, %slice3A_83 : vector<1x4096xf32>
    %sub3A_137 = arith.subf %mul3A_135, %mul3A_136 : vector<1x4096xf32>
    %mul3A_138 = arith.mulf %sub3A_137, %add3A_69 : vector<1x4096xf32>
    %add3A_139 = arith.addf %add3A_134, %mul3A_138 : vector<1x4096xf32>
    %mul3A_140 = arith.mulf %add3A_139, %div3A_104 : vector<1x4096xf32>
    %mul3A_141 = arith.constant 5.000000e-01 : f32
    %mul3A_142 = vector.broadcast %mul3A_141 : f32 to vector<1x4096xf32>
    %mul3A_143 = arith.mulf %mul3A_35, %mul3A_142 : vector<1x4096xf32>
    %add3A_144 = arith.addf %mul3A_128, %mul3A_143 : vector<1x4096xf32>
    %slice3A_145 = vector.extract_strided_slice %get3A_4 {offsets = [10, 0], sizes = [1, 4096], strides = [1, 1]} : vector<32x4096xf32> to vector<1x4096xf32>
    %sub3A_146 = arith.subf %mul3A_116, %slice3A_145 : vector<1x4096xf32>
    %abs3A_147 = math.absf %sub3A_146 : vector<1x4096xf32>
    %slice3A_148 = vector.extract_strided_slice %get3A_4 {offsets = [11, 0], sizes = [1, 4096], strides = [1, 1]} : vector<32x4096xf32> to vector<1x4096xf32>
    %sub3A_149 = arith.subf %add3A_144, %slice3A_148 : vector<1x4096xf32>
    %abs3A_150 = math.absf %sub3A_149 : vector<1x4096xf32>
    %add3A_151 = arith.addf %abs3A_147, %abs3A_150 : vector<1x4096xf32>
    %slice3A_152 = vector.extract_strided_slice %get3A_4 {offsets = [12, 0], sizes = [1, 4096], strides = [1, 1]} : vector<32x4096xf32> to vector<1x4096xf32>
    %sub3A_153 = arith.subf %mul3A_140, %slice3A_152 : vector<1x4096xf32>
    %abs3A_154 = math.absf %sub3A_153 : vector<1x4096xf32>
    %add3A_155 = arith.addf %add3A_151, %abs3A_154 : vector<1x4096xf32>
    %mul3A_156 = arith.mulf %add3A_155, %slice3A_6 : vector<1x4096xf32>
    %reduce_sum3A_157 = vector.shape_cast %mul3A_156 : vector<1x4096xf32> to vector<1x1x4096xf32>
    %reduce_sum3A_158 = arith.constant dense<0.000000e+00> : vector<1xf32>
    %reduce_sum3A_159 = vector.multi_reduction <add>, %reduce_sum3A_157, %reduce_sum3A_158 [1, 2] : vector<1x1x4096xf32> to vector<1xf32>
    %reduce_sum3A_160 = vector.shape_cast %reduce_sum3A_159 : vector<1xf32> to vector<1x1x1xf32>
    %reduce_sum3A_161 = vector.extract %reduce_sum3A_160[0, 0, 0] : f32 from vector<1x1x1xf32>
    %add3A_162 = arith.constant 1.000000e-07 : f32
    %add3A_163 = vector.broadcast %add3A_162 : f32 to vector<1x4096xf32>
    %add3A_164 = arith.addf %mul3A_140, %add3A_163 : vector<1x4096xf32>
    %div3A_165 = arith.divf %mul3A_116, %add3A_164 : vector<1x4096xf32>
    %abs3A_166 = math.absf %div3A_165 : vector<1x4096xf32>
    %gt3A = arith.constant 2.41421366 : f32
    %gt3A_167 = vector.broadcast %gt3A : f32 to vector<1x4096xf32>
    %gt3A_168 = arith.cmpf ogt, %abs3A_166, %gt3A_167 : vector<1x4096xf32>
    %gt3A_169 = arith.constant 0.414213568 : f32
    %gt3A_170 = vector.broadcast %gt3A_169 : f32 to vector<1x4096xf32>
    %gt3A_171 = arith.cmpf ogt, %abs3A_166, %gt3A_170 : vector<1x4096xf32>
    %jit3A = arith.constant 1.000000e+00 : f32
    %broadcast_in_dim3A = vector.broadcast %jit3A : f32 to vector<1x4096xf32>
    %select_n3A = arith.select %gt3A_168, %abs3A_166, %broadcast_in_dim3A : vector<1x4096xi1>, vector<1x4096xf32>
    %div3A_172 = arith.constant -1.000000e+00 : f32
    %div3A_173 = vector.broadcast %div3A_172 : f32 to vector<1x4096xf32>
    %div3A_174 = arith.divf %div3A_173, %select_n3A : vector<1x4096xf32>
    %sub3A_175 = arith.constant 1.000000e+00 : f32
    %sub3A_176 = vector.broadcast %sub3A_175 : f32 to vector<1x4096xf32>
    %sub3A_177 = arith.subf %abs3A_166, %sub3A_176 : vector<1x4096xf32>
    %add3A_178 = arith.constant 1.000000e+00 : f32
    %add3A_179 = vector.broadcast %add3A_178 : f32 to vector<1x4096xf32>
    %add3A_180 = arith.addf %abs3A_166, %add3A_179 : vector<1x4096xf32>
    %div3A_181 = arith.divf %sub3A_177, %add3A_180 : vector<1x4096xf32>
    %select_n3A_182 = arith.select %gt3A_171, %div3A_181, %abs3A_166 : vector<1x4096xi1>, vector<1x4096xf32>
    %select_n3A_183 = arith.select %gt3A_168, %div3A_174, %select_n3A_182 : vector<1x4096xi1>, vector<1x4096xf32>
    %jit3A_184 = arith.constant 0.785398185 : f32
    %jit3A_185 = arith.constant 0.000000e+00 : f32
    %broadcast_in_dim3A_186 = vector.broadcast %jit3A_184 : f32 to vector<1x4096xf32>
    %broadcast_in_dim3A_187 = vector.broadcast %jit3A_185 : f32 to vector<1x4096xf32>
    %select_n3A_188 = arith.select %gt3A_171, %broadcast_in_dim3A_186, %broadcast_in_dim3A_187 : vector<1x4096xi1>, vector<1x4096xf32>
    %jit3A_189 = arith.constant 1.57079637 : f32
    %broadcast_in_dim3A_190 = vector.broadcast %jit3A_189 : f32 to vector<1x4096xf32>
    %select_n3A_191 = arith.select %gt3A_168, %broadcast_in_dim3A_190, %select_n3A_188 : vector<1x4096xi1>, vector<1x4096xf32>
    %mul3A_192 = arith.mulf %select_n3A_183, %select_n3A_183 : vector<1x4096xf32>
    %mul3A_193 = arith.constant 0.0805374458 : f32
    %mul3A_194 = vector.broadcast %mul3A_193 : f32 to vector<1x4096xf32>
    %mul3A_195 = arith.mulf %mul3A_194, %mul3A_192 : vector<1x4096xf32>
    %sub3A_196 = arith.constant 0.138776854 : f32
    %sub3A_197 = vector.broadcast %sub3A_196 : f32 to vector<1x4096xf32>
    %sub3A_198 = arith.subf %mul3A_195, %sub3A_197 : vector<1x4096xf32>
    %mul3A_199 = arith.mulf %sub3A_198, %mul3A_192 : vector<1x4096xf32>
    %add3A_200 = arith.constant 0.199777111 : f32
    %add3A_201 = vector.broadcast %add3A_200 : f32 to vector<1x4096xf32>
    %add3A_202 = arith.addf %mul3A_199, %add3A_201 : vector<1x4096xf32>
    %mul3A_203 = arith.mulf %add3A_202, %mul3A_192 : vector<1x4096xf32>
    %sub3A_204 = arith.constant 0.333329499 : f32
    %sub3A_205 = vector.broadcast %sub3A_204 : f32 to vector<1x4096xf32>
    %sub3A_206 = arith.subf %mul3A_203, %sub3A_205 : vector<1x4096xf32>
    %add3A_207 = arith.addf %select_n3A_191, %select_n3A_183 : vector<1x4096xf32>
    %mul3A_208 = arith.mulf %select_n3A_183, %mul3A_192 : vector<1x4096xf32>
    %mul3A_209 = arith.mulf %mul3A_208, %sub3A_206 : vector<1x4096xf32>
    %add3A_210 = arith.addf %add3A_207, %mul3A_209 : vector<1x4096xf32>
    %lt3A = arith.constant 0.000000e+00 : f32
    %lt3A_211 = vector.broadcast %lt3A : f32 to vector<1x4096xf32>
    %lt3A_212 = arith.cmpf olt, %div3A_165, %lt3A_211 : vector<1x4096xf32>
    %neg3A = arith.constant 0.000000e+00 : f32
    %neg3A_213 = vector.broadcast %neg3A : f32 to vector<1x4096xf32>
    %neg3A_214 = arith.subf %neg3A_213, %add3A_210 : vector<1x4096xf32>
    %select_n3A_215 = arith.select %lt3A_212, %neg3A_214, %add3A_210 : vector<1x4096xi1>, vector<1x4096xf32>
    %slice3A_216 = vector.extract_strided_slice %get3A_1 {offsets = [10, 0], sizes = [1, 4096], strides = [1, 1]} : vector<16x4096xf32> to vector<1x4096xf32>
    %slice3A_217 = vector.extract_strided_slice %get3A_1 {offsets = [11, 0], sizes = [1, 4096], strides = [1, 1]} : vector<16x4096xf32> to vector<1x4096xf32>
    %add3A_218 = arith.constant 1.000000e-07 : f32
    %add3A_219 = vector.broadcast %add3A_218 : f32 to vector<1x4096xf32>
    %add3A_220 = arith.addf %slice3A_217, %add3A_219 : vector<1x4096xf32>
    %div3A_221 = arith.divf %slice3A_216, %add3A_220 : vector<1x4096xf32>
    %abs3A_222 = math.absf %div3A_221 : vector<1x4096xf32>
    %gt3A_223 = arith.constant 2.41421366 : f32
    %gt3A_224 = vector.broadcast %gt3A_223 : f32 to vector<1x4096xf32>
    %gt3A_225 = arith.cmpf ogt, %abs3A_222, %gt3A_224 : vector<1x4096xf32>
    %gt3A_226 = arith.constant 0.414213568 : f32
    %gt3A_227 = vector.broadcast %gt3A_226 : f32 to vector<1x4096xf32>
    %gt3A_228 = arith.cmpf ogt, %abs3A_222, %gt3A_227 : vector<1x4096xf32>
    %jit3A_229 = arith.constant 1.000000e+00 : f32
    %broadcast_in_dim3A_230 = vector.broadcast %jit3A_229 : f32 to vector<1x4096xf32>
    %select_n3A_231 = arith.select %gt3A_225, %abs3A_222, %broadcast_in_dim3A_230 : vector<1x4096xi1>, vector<1x4096xf32>
    %div3A_232 = arith.constant -1.000000e+00 : f32
    %div3A_233 = vector.broadcast %div3A_232 : f32 to vector<1x4096xf32>
    %div3A_234 = arith.divf %div3A_233, %select_n3A_231 : vector<1x4096xf32>
    %sub3A_235 = arith.constant 1.000000e+00 : f32
    %sub3A_236 = vector.broadcast %sub3A_235 : f32 to vector<1x4096xf32>
    %sub3A_237 = arith.subf %abs3A_222, %sub3A_236 : vector<1x4096xf32>
    %add3A_238 = arith.constant 1.000000e+00 : f32
    %add3A_239 = vector.broadcast %add3A_238 : f32 to vector<1x4096xf32>
    %add3A_240 = arith.addf %abs3A_222, %add3A_239 : vector<1x4096xf32>
    %div3A_241 = arith.divf %sub3A_237, %add3A_240 : vector<1x4096xf32>
    %select_n3A_242 = arith.select %gt3A_228, %div3A_241, %abs3A_222 : vector<1x4096xi1>, vector<1x4096xf32>
    %select_n3A_243 = arith.select %gt3A_225, %div3A_234, %select_n3A_242 : vector<1x4096xi1>, vector<1x4096xf32>
    %jit3A_244 = arith.constant 0.785398185 : f32
    %jit3A_245 = arith.constant 0.000000e+00 : f32
    %broadcast_in_dim3A_246 = vector.broadcast %jit3A_244 : f32 to vector<1x4096xf32>
    %broadcast_in_dim3A_247 = vector.broadcast %jit3A_245 : f32 to vector<1x4096xf32>
    %select_n3A_248 = arith.select %gt3A_228, %broadcast_in_dim3A_246, %broadcast_in_dim3A_247 : vector<1x4096xi1>, vector<1x4096xf32>
    %jit3A_249 = arith.constant 1.57079637 : f32
    %broadcast_in_dim3A_250 = vector.broadcast %jit3A_249 : f32 to vector<1x4096xf32>
    %select_n3A_251 = arith.select %gt3A_225, %broadcast_in_dim3A_250, %select_n3A_248 : vector<1x4096xi1>, vector<1x4096xf32>
    %mul3A_252 = arith.mulf %select_n3A_243, %select_n3A_243 : vector<1x4096xf32>
    %mul3A_253 = arith.constant 0.0805374458 : f32
    %mul3A_254 = vector.broadcast %mul3A_253 : f32 to vector<1x4096xf32>
    %mul3A_255 = arith.mulf %mul3A_254, %mul3A_252 : vector<1x4096xf32>
    %sub3A_256 = arith.constant 0.138776854 : f32
    %sub3A_257 = vector.broadcast %sub3A_256 : f32 to vector<1x4096xf32>
    %sub3A_258 = arith.subf %mul3A_255, %sub3A_257 : vector<1x4096xf32>
    %mul3A_259 = arith.mulf %sub3A_258, %mul3A_252 : vector<1x4096xf32>
    %add3A_260 = arith.constant 0.199777111 : f32
    %add3A_261 = vector.broadcast %add3A_260 : f32 to vector<1x4096xf32>
    %add3A_262 = arith.addf %mul3A_259, %add3A_261 : vector<1x4096xf32>
    %mul3A_263 = arith.mulf %add3A_262, %mul3A_252 : vector<1x4096xf32>
    %sub3A_264 = arith.constant 0.333329499 : f32
    %sub3A_265 = vector.broadcast %sub3A_264 : f32 to vector<1x4096xf32>
    %sub3A_266 = arith.subf %mul3A_263, %sub3A_265 : vector<1x4096xf32>
    %add3A_267 = arith.addf %select_n3A_251, %select_n3A_243 : vector<1x4096xf32>
    %mul3A_268 = arith.mulf %select_n3A_243, %mul3A_252 : vector<1x4096xf32>
    %mul3A_269 = arith.mulf %mul3A_268, %sub3A_266 : vector<1x4096xf32>
    %add3A_270 = arith.addf %add3A_267, %mul3A_269 : vector<1x4096xf32>
    %lt3A_271 = arith.constant 0.000000e+00 : f32
    %lt3A_272 = vector.broadcast %lt3A_271 : f32 to vector<1x4096xf32>
    %lt3A_273 = arith.cmpf olt, %div3A_221, %lt3A_272 : vector<1x4096xf32>
    %neg3A_274 = arith.constant 0.000000e+00 : f32
    %neg3A_275 = vector.broadcast %neg3A_274 : f32 to vector<1x4096xf32>
    %neg3A_276 = arith.subf %neg3A_275, %add3A_270 : vector<1x4096xf32>
    %select_n3A_277 = arith.select %lt3A_273, %neg3A_276, %add3A_270 : vector<1x4096xi1>, vector<1x4096xf32>
    %slice3A_278 = vector.extract_strided_slice %get3A_1 {offsets = [11, 0], sizes = [1, 4096], strides = [1, 1]} : vector<16x4096xf32> to vector<1x4096xf32>
    %ge3A = arith.constant 0.000000e+00 : f32
    %ge3A_279 = vector.broadcast %ge3A : f32 to vector<1x4096xf32>
    %ge3A_280 = arith.cmpf oge, %slice3A_278, %ge3A_279 : vector<1x4096xf32>
    %sub3A_281 = arith.constant 1.57079637 : f32
    %sub3A_282 = vector.broadcast %sub3A_281 : f32 to vector<1x4096xf32>
    %sub3A_283 = arith.subf %select_n3A_277, %sub3A_282 : vector<1x4096xf32>
    %add3A_284 = arith.constant 1.57079637 : f32
    %add3A_285 = vector.broadcast %add3A_284 : f32 to vector<1x4096xf32>
    %add3A_286 = arith.addf %select_n3A_277, %add3A_285 : vector<1x4096xf32>
    %select_n3A_287 = arith.select %ge3A_280, %sub3A_283, %add3A_286 : vector<1x4096xi1>, vector<1x4096xf32>
    %add3A_288 = arith.addf %select_n3A_287, %select_n3A_215 : vector<1x4096xf32>
    %gt3A_289 = arith.constant 3.14159274 : f32
    %gt3A_290 = vector.broadcast %gt3A_289 : f32 to vector<1x4096xf32>
    %gt3A_291 = arith.cmpf ogt, %add3A_288, %gt3A_290 : vector<1x4096xf32>
    %sub3A_292 = arith.constant 6.28318548 : f32
    %sub3A_293 = vector.broadcast %sub3A_292 : f32 to vector<1x4096xf32>
    %sub3A_294 = arith.subf %add3A_288, %sub3A_293 : vector<1x4096xf32>
    %select_n3A_295 = arith.select %gt3A_291, %sub3A_294, %add3A_288 : vector<1x4096xi1>, vector<1x4096xf32>
    %lt3A_296 = arith.constant -3.14159274 : f32
    %lt3A_297 = vector.broadcast %lt3A_296 : f32 to vector<1x4096xf32>
    %lt3A_298 = arith.cmpf olt, %select_n3A_295, %lt3A_297 : vector<1x4096xf32>
    %add3A_299 = arith.constant 6.28318548 : f32
    %add3A_300 = vector.broadcast %add3A_299 : f32 to vector<1x4096xf32>
    %add3A_301 = arith.addf %select_n3A_295, %add3A_300 : vector<1x4096xf32>
    %select_n3A_302 = arith.select %lt3A_298, %add3A_301, %select_n3A_295 : vector<1x4096xi1>, vector<1x4096xf32>
    %slice3A_303 = vector.extract_strided_slice %get3A_4 {offsets = [13, 0], sizes = [1, 4096], strides = [1, 1]} : vector<32x4096xf32> to vector<1x4096xf32>
    %sub3A_304 = arith.subf %select_n3A_302, %slice3A_303 : vector<1x4096xf32>
    %abs3A_305 = math.absf %sub3A_304 : vector<1x4096xf32>
    %mul3A_306 = arith.mulf %abs3A_305, %slice3A_6 : vector<1x4096xf32>
    %reduce_sum3A_307 = vector.shape_cast %mul3A_306 : vector<1x4096xf32> to vector<1x1x4096xf32>
    %reduce_sum3A_308 = arith.constant dense<0.000000e+00> : vector<1xf32>
    %reduce_sum3A_309 = vector.multi_reduction <add>, %reduce_sum3A_307, %reduce_sum3A_308 [1, 2] : vector<1x1x4096xf32> to vector<1xf32>
    %reduce_sum3A_310 = vector.shape_cast %reduce_sum3A_309 : vector<1xf32> to vector<1x1x1xf32>
    %reduce_sum3A_311 = vector.extract %reduce_sum3A_310[0, 0, 0] : f32 from vector<1x1x1xf32>
    %reduce_sum3A_312 = vector.shape_cast %slice3A_6 : vector<1x4096xf32> to vector<1x1x4096xf32>
    %reduce_sum3A_313 = arith.constant dense<0.000000e+00> : vector<1xf32>
    %reduce_sum3A_314 = vector.multi_reduction <add>, %reduce_sum3A_312, %reduce_sum3A_313 [1, 2] : vector<1x1x4096xf32> to vector<1xf32>
    %reduce_sum3A_315 = vector.shape_cast %reduce_sum3A_314 : vector<1xf32> to vector<1x1x1xf32>
    %reduce_sum3A_316 = vector.extract %reduce_sum3A_315[0, 0, 0] : f32 from vector<1x1x1xf32>
    %reshape3A = vector.broadcast %reduce_sum3A_16 : f32 to vector<1x1xf32>
    %swap3A = arith.constant 0 : index
    %swap3A_317 = arith.constant 0 : index
    %swap3A_318 = vector.load %arg2[%swap3A, %swap3A_317] : memref<1x1xf32, #tpu.memory_space<vmem>>, vector<1x1xf32>
    tpu.vector_store %arg2[%swap3A, %swap3A_317], %reshape3A {strides = array<i32>} : memref<1x1xf32, #tpu.memory_space<vmem>>, vector<1x1xf32>,
    %reshape3A_319 = vector.broadcast %reduce_sum3A_31 : f32 to vector<1x1xf32>
    %swap3A_320 = arith.constant 0 : index
    %swap3A_321 = arith.constant 0 : index
    %swap3A_322 = vector.load %arg3[%swap3A_320, %swap3A_321] : memref<1x1xf32, #tpu.memory_space<vmem>>, vector<1x1xf32>
    tpu.vector_store %arg3[%swap3A_320, %swap3A_321], %reshape3A_319 {strides = array<i32>} : memref<1x1xf32, #tpu.memory_space<vmem>>, vector<1x1xf32>,
    %reshape3A_323 = vector.broadcast %reduce_sum3A_62 : f32 to vector<1x1xf32>
    %swap3A_324 = arith.constant 0 : index
    %swap3A_325 = arith.constant 0 : index
    %swap3A_326 = vector.load %arg4[%swap3A_324, %swap3A_325] : memref<1x1xf32, #tpu.memory_space<vmem>>, vector<1x1xf32>
    tpu.vector_store %arg4[%swap3A_324, %swap3A_325], %reshape3A_323 {strides = array<i32>} : memref<1x1xf32, #tpu.memory_space<vmem>>, vector<1x1xf32>,
    %reshape3A_327 = vector.broadcast %reduce_sum3A_161 : f32 to vector<1x1xf32>
    %swap3A_328 = arith.constant 0 : index
    %swap3A_329 = arith.constant 0 : index
    %swap3A_330 = vector.load %arg5[%swap3A_328, %swap3A_329] : memref<1x1xf32, #tpu.memory_space<vmem>>, vector<1x1xf32>
    tpu.vector_store %arg5[%swap3A_328, %swap3A_329], %reshape3A_327 {strides = array<i32>} : memref<1x1xf32, #tpu.memory_space<vmem>>, vector<1x1xf32>,
    %reshape3A_331 = vector.broadcast %reduce_sum3A_311 : f32 to vector<1x1xf32>
    %swap3A_332 = arith.constant 0 : index
    %swap3A_333 = arith.constant 0 : index
    %swap3A_334 = vector.load %arg6[%swap3A_332, %swap3A_333] : memref<1x1xf32, #tpu.memory_space<vmem>>, vector<1x1xf32>
    tpu.vector_store %arg6[%swap3A_332, %swap3A_333], %reshape3A_331 {strides = array<i32>} : memref<1x1xf32, #tpu.memory_space<vmem>>, vector<1x1xf32>,
    %reshape3A_335 = vector.broadcast %reduce_sum3A_316 : f32 to vector<1x1xf32>
    %swap3A_336 = arith.constant 0 : index
    %swap3A_337 = arith.constant 0 : index
    %swap3A_338 = vector.load %arg7[%swap3A_336, %swap3A_337] : memref<1x1xf32, #tpu.memory_space<vmem>>, vector<1x1xf32>
    tpu.vector_store %arg7[%swap3A_336, %swap3A_337], %reshape3A_335 {strides = array<i32>} : memref<1x1xf32, #tpu.memory_space<vmem>>, vector<1x1xf32>,
    return
  }
}

</mosaic_0001>

<sc_bundles>
// kernel: kernel.5.cloned.1.call-start
scs
__scs_entry_jumppad:
0x0: {  	(pc) =	sbr.rel $0x88, $3  }
0x1: {  	(tag) =	ssettag $0x0;
	lr =	simm.s32 $0x1  }
0x2: {  	[smem:$0x3F90] =	sst lr;
	_ =	strace $0xD0000000  }
0x3: {  	_ = 	snop  }
0x4: {  	_ = 	snop  }
0x5: {  	_ = 	snop  }
0x6: {  	_ = 	snop  }
0x7: {  	_ = 	snop  }
__scs_overlays_trampoline_lowered:
0x8: {  	[smem:$0x3F9F] =	sst s0  }
0x9: {  	[smem:$0x3FA0] =	sst s1  }
0xa: {  	[smem:$0x3FA1] =	sst s2  }
0xb: {  	[smem:$0x3FA2] =	sst s3  }
0xc: {  	[smem:$0x3FA3] =	sst s4  }
0xd: {  	[smem:$0x3FA4] =	sst s5  }
0xe: {  	[smem:$0x3FA5] =	sst s6  }
0xf: {  	[smem:$0x3FA6] =	sst s7  }
0x10: {  	[smem:$0x3FA7] =	sst s8  }
0x11: {  	[smem:$0x3FA8] =	sst s9;
	s0 =	simm.s32 @!p0 $0x0  }
0x12: {  	s1 =	sld [smem:$0x3F8E];
	s0 =	simm.s32 @p0 $0x1  }
0x13: {  	[smem:$0x3FA9] =	sst s0;
	s0 =	simm.s32 @!p1 $0x0  }
0x14: {  	s2 =	sld [smem:$0x3F8D];
	s0 =	simm.s32 @p1 $0x1  }
0x15: {  	[smem:$0x3FAA] =	sst s0;
	s0 =	simm.s32 @!p2 $0x0  }
0x16: {  	s3 =	sld [smem:$0x3FDB];
	s0 =	simm.s32 @p2 $0x1  }
0x17: {  	s4 =	simm.s32 $0x1BF5;
	[smem:$0x3FAC] =	sst s0  }
0x18: {  	s0 =	sld [smem:$0x3F8F];
	_ =	swait.ge [sflag:s4], $0x0  }
0x19: {  	s7 =	sld [smem:$0x3F90]  }
0x1a: {  	s8 =	sadd.s32 $0xFFFFE003, lr  }
0x1b: {  	s9 =	sadd.s32 $0xFFFFFEF7, lr;
	s5 =	simm.s32 $0xFFFFFFFF;
	p2 =	slt.u32 s8, $0xFFFFF086  }
0x1c: {  	p1 =	slt.u32 s9, $0xF7A;
	s5 =	simm.s32 @!p2 $0x0  }
0x1d: {  	s5 =	simm.s32 @p1 $0x1;
	p0 =	seq.s32 s7, s2  }
0x1e: {  	s7 =	smul.u32 @!p0 $0xF7A, s2;
	p2 =	seq.s32 @!p0 s5, $0x0  }
0x1f: {  	s9 =	smul.u32 $0xF7A, s1;
	s8 =	simm.s32 @!p0 $0x1BF5;
	p2 =	por !p2, p0  }
0x20: {  	[sflag:s8] =	ssyncset.s32 @!p0 $0xFFFFF086;
	s6 =	sadd.s32 @!p0 s3, s7;
	s7 =	simm.s32 @!p0 $0x108  }
0x21: {  	s3 =	sadd.s32 s3, s9;
	s6 =	sadd.s32 @!p0 $0x88, s6;
	s7 =	simm.s32 @p2 $0x1082  }
0x22: {  	[simem:s7], [sflag:s8] =	dma.local @!p0 [hbm:s6], $0xF7A  }
0x23: {  	s9 =	sor.u32 $0xD0000000, s2;
	s6 =	simm.s32 $0x108;
	_ =	swait.ge @!p0 [sflag:s8], $0x0  }
0x24: {  	s3 =	sadd.s32 $0x88, s3;
	s6 =	simm.s32 @!p1 $0x1082;
	[sflag:s4] =	ssyncset.s32 $0xFFFFF086  }
0x25: {  	[simem:s6], [sflag:s4] =	dma.local [hbm:s3], $0xF7A  }
0x26: {  	[smem:$0x3F90] =	sst s1;
	(tag) =	ssettag s2;
	_ =	strace s9  }
0x27: {  	s1 =	sld [smem:$0x3FA0]  }
0x28: {  	s2 =	sld [smem:$0x3FA1]  }
0x29: {  	s4 =	sld [smem:$0x3FA3]  }
0x2a: {  	p0 =	seq.s32 s5, $0x0;
	s5 =	sld [smem:$0x3FA4]  }
0x2b: {  	s6 =	sld [smem:$0x3FA5]  }
0x2c: {  	s7 =	sld [smem:$0x3FA6]  }
0x2d: {  	s3 =	simm.s32 $0x108;
	s8 =	sld [smem:$0x3FA7]  }
0x2e: {  	s3 =	simm.s32 @!p0 $0x1082;
	s9 =	sld [smem:$0x3FA8]  }
0x2f: {  	lr =	sadd.s32 s0, s3;
	s0 =	sld [smem:$0x3F9F]  }
0x30: {  	s3 =	sld [smem:$0x3FA2]  }
0x31: {  	[smem:$0x3FAB] =	sst s10  }
0x32: {  	s10 =	sld [smem:$0x3FA9];
	_ =	sdelay $0x3  }
0x33: {  	p0 =	seq.s32 s10, $0x1;
	s10 =	sld [smem:$0x3FAB];
	_ =	sdelay $0x3  }
0x34: {  	[smem:$0x3FAB] =	sst s10  }
0x35: {  	s10 =	sld [smem:$0x3FAA];
	_ =	sdelay $0x3  }
0x36: {  	p1 =	seq.s32 s10, $0x1;
	s10 =	sld [smem:$0x3FAB];
	_ =	sdelay $0x3  }
0x37: {  	[smem:$0x3FAB] =	sst s10  }
0x38: {  	s10 =	sld [smem:$0x3FAC]  }
0x39: {  	_ = 	snop;
	(pc) =	sbr.ind lr, $3  }
0x3a: {  	_ = 	snop  }
0x3b: {  	_ = 	snop  }
0x3c: {  	p2 =	seq.s32 s10, $0x1;
	s10 =	sld [smem:$0x3FAB]  }
0x3d: {  	_ =	shalt  }
0x3e: {  	_ =	shalt  }
0x3f: {  	_ =	shalt  }
0x40: {  	_ =	shalt  }
0x41: {  	_ =	shalt  }
0x42: {  	_ =	shalt  }
0x43: {  	_ =	shalt  }
0x44: {  	_ =	shalt  }
0x45: {  	_ =	shalt  }
0x46: {  	_ =	shalt  }
0x47: {  	_ =	shalt  }
0x48: {  	_ =	shalt  }
0x49: {  	_ =	shalt  }
0x4a: {  	_ =	shalt  }
0x4b: {  	_ =	shalt  }
0x4c: {  	_ =	shalt  }
0x4d: {  	_ =	shalt  }
0x4e: {  	_ =	shalt  }
0x4f: {  	_ =	shalt  }
0x50: {  	_ =	shalt  }
0x51: {  	_ =	shalt  }
0x52: {  	_ =	shalt  }
0x53: {  	_ =	shalt  }
0x54: {  	_ =	shalt  }
0x55: {  	_ =	shalt  }
0x56: {  	_ =	shalt  }
0x57: {  	_ =	shalt  }
0x58: {  	_ =	shalt  }
0x59: {  	_ =	shalt  }
0x5a: {  	_ =	shalt  }
0x5b: {  	_ =	shalt  }
0x5c: {  	_ =	shalt  }
0x5d: {  	_ =	shalt  }
0x5e: {  	_ =	shalt  }
0x5f: {  	_ =	shalt  }
0x60: {  	_ =	shalt  }
0x61: {  	_ =	shalt  }
0x62: {  	_ =	shalt  }
0x63: {  	_ =	shalt  }
0x64: {  	_ =	shalt  }
0x65: {  	_ =	shalt  }
0x66: {  	_ =	shalt  }
0x67: {  	_ =	shalt  }
0x68: {  	_ =	shalt  }
0x69: {  	_ =	shalt  }
0x6a: {  	_ =	shalt  }
0x6b: {  	_ =	shalt  }
0x6c: {  	_ =	shalt  }
0x6d: {  	_ =	shalt  }
0x6e: {  	_ =	shalt  }
0x6f: {  	_ =	shalt  }
0x70: {  	_ =	shalt  }
0x71: {  	_ =	shalt  }
0x72: {  	_ =	shalt  }
0x73: {  	_ =	shalt  }
0x74: {  	_ =	shalt  }
0x75: {  	_ =	shalt  }
0x76: {  	_ =	shalt  }
0x77: {  	_ =	shalt  }
0x78: {  	_ =	shalt  }
0x79: {  	_ =	shalt  }
0x7a: {  	_ =	shalt  }
0x7b: {  	_ =	shalt  }
0x7c: {  	_ =	shalt  }
0x7d: {  	_ =	shalt  }
0x7e: {  	_ =	shalt  }
0x7f: {  	_ =	shalt  }
0x80: {  	_ =	shalt  }
0x81: {  	_ =	shalt  }
0x82: {  	_ =	shalt  }
0x83: {  	_ =	shalt  }
0x84: {  	_ =	shalt  }
0x85: {  	_ =	shalt  }
0x86: {  	_ =	shalt  }
0x87: {  	_ =	shalt  }
.Lfunc_end0:
.L_simem_size_0:
called_computation_lowered:
.L_overlay_start_0:
0x88: {  	s2 =	sld [smem:$0x3FD9]  }
0x89: {  	s3 =	sld [smem:$0x3FFE];
	_ =	sdelay $0x1  }
0x8a: {  	s1 =	srdreg.scid  }
0x8b: {  	s0 =	sand.u32 $0x1, s1  }
0x8c: {  	s16 =	sshll.u32 s0, $0xA;
	s2 =	sadd.s32 s3, s2  }
0x8d: {  	s2 =	sadd.s32 s2, s16  }
0x8e: {  	[smem:$0x3FB7] =	sst s2  }
0x8f: {  	_ = 	snop  }
0x90: {  	(tm) =	ssettm $0x1  }
0x91: {  	s17 =	sld [smem:$0x3FFB];
	_ =	sdelay $0x3  }
0x92: {  	_ =	strace s17  }
0x93: {  	s2 =	sld [smem:$0x3FFC];
	_ =	sdelay $0x3  }
0x94: {  	_ =	strace s2  }
0x95: {  	s2 =	sld [smem:$0x3FFD];
	_ =	sdelay $0x3  }
0x96: {  	_ =	strace s2  }
0x97: {  	_ =	strace $0x8FFFFFFF  }
0x98: {  	s18 =	sld [smem:$0x3FDB];
	_ =	sdelay $0x1  }
0x99: {  	s19 =	simm.s32 $_scs_section_size  }
0x9a: {  	s4 =	simm.s32 $_size__tile_overlayer_lowered;
	s5 =	simm.s32 $_tile_overlayer_lowered  }
0x9b: {  	s22 =	simm.s32 $0x1BFF;
	s21 =	sshll.u32 s5, $0x1;
	s2 =	sadd.s32 s19, s18  }
0x9c: {  	s6 =	simm.s32 $0x0;
	s20 =	sshll.u32 s4, $0x1;
	s4 =	sadd.s32 s21, s2  }
0x9d: {  	[timem:s6], [sflag:s22] =	dma.local [hbm:s4], s20  }
0x9e: {  	_ =	swait.ge [sflag:s22], s20  }
0x9f: {  	s3 =	ssub.s32 $0x0, s20;
	[sflag:s22] =	ssyncset.done $0x0  }
0xa0: {  	[sflag:s22] =	ssyncadd.s32 s3;
	_ =	sdelay $0x1  }
0xa1: {  	s23 =	simm.s32 $0x1B8B  }
0xa2: {  	_ =	swait.ge [sflag:s23], $0x1  }
0xa3: {  	[sflag:s23] =	ssyncset.done $0x0  }
0xa4: {  	s25 =	simm.s32 $0x1B8E;
	s24 =	sld [smem:$0x3FFE];
	[sflag:s23] =	ssyncadd.s32 $0xFFFFFFFF  }
0xa5: {  	s26 =	simm.s32 $execute0_lowered;
	[smem:$0x3FD2] =	sst s25  }
0xa6: {  	s4 =	sshll.u32 s26, $0x1;
	_ =	strace $0x80000046;
	[dreg:$0x1] =	wrdreg $0xFFFFFFFF  }
0xa7: {  	s28 =	simm.s32 $_size_execute0_lowered;
	s2 =	sadd.s32 s2, s4;
	[dreg:$0x0] =	wrdreg $0x0  }
0xa8: {  	s4 =	sshll.u32 s28, $0x1;
	[dreg:$0x2] =	wrdreg s2  }
0xa9: {  	[dreg:$0x3] =	wrdreg s4  }
0xaa: {  	[dreg:$0x4] =	wrdreg $0xC0  }
0xab: {  	_ =	task [dreg:s6], $0x5FFFF  }
0xac: {  	[dreg:$0x1] =	wrdreg $0xFFFFFFFF  }
0xad: {  	[dreg:$0x0] =	wrdreg $0x60  }
0xae: {  	[dreg:$0x2] =	wrdreg s24  }
0xaf: {  	[dreg:$0x3] =	wrdreg $0x9  }
0xb0: {  	_ =	task.clear_ibuf [dreg:s6], $0x4FFFF;
	_ =	strace $0x90000046  }
0xb1: {  	s29 =	simm.s32 $0x9;
	_ =	strace $0x80000048  }
0xb2: {  	_ =	swait.ge [sflag:s29], $0x1  }
0xb3: {  	[sflag:s29] =	ssyncadd.s32 $0xFFFFFFFF  }
0xb4: {  	_ =	strace $0x90000048  }
0xb5: {  	_ =	sfence  }
0xb6: {  	s30 =	sld [smem:$0x0];
	_ =	sdelay $0x2  }
0xb7: {  	s31 =	sshll.u32 s1, $0xD;
	s1 =	sshrl.u32 s1, $0x2  }
0xb8: {  	s3 =	sand.u32 $0x4000, s31;
	s1 =	sadd.s32 s1, s30  }
0xb9: {  	s0 =	sor.u32 s3, s0;
	s1 =	sshll.u32 s1, $0x11  }
0xba: {  	s0 =	sor.u32 s1, s0  }
0xbb: {  	s0 =	sadd.s32 $0x8F2B, s0  }
0xbc: {  	[sflag:s0] =	ssyncadd.remote.s32 $0x1  }
0xbd: {  	_ =	sfence.sel $0xFFFF  }
0xbe: {  	[dreg:$0x0] =	wrdreg $0xFFFFFFFF;
	(pc) =	sbr.abs _section_cstart, $3  }
0xbf: {  	[dreg:$0x1] =	wrdreg $0xFFFFFFFF  }
0xc0: {  	_ =	task.clear_ibuf [dreg:s6], $0x2FFFF;
	_ =	strace $0x9FFFFFFF  }
0xc1: {  	(tm) =	ssettm $0x7FFFFFFF  }
tec
execute0_lowered:
.L_overlay_start_1:
0x0: {  	(tag) =	ssettag $0x1  }
0x1: {  	s0 =	rddreg [dreg:$0x0]  }
0x2: {  	s12 =	rddreg [dreg:$0x1];
	s2 =	simm.s32 $0x0;
	s1 =	srdreg.scid  }
0x3: {  	s4 =	stileid.u32;
	s25 =	simm.s32 $0x880;
	s26 =	simm.s32 $0x100  }
0x4: {  	s11 =	simm.s32 $0x80;
	s14 =	simm.s32 $0x180;
	s15 =	simm.s32 $0x980  }
0x5: {  	s16 =	simm.s32 $0x200;
	s17 =	simm.s32 $0xA00;
	s18 =	simm.s32 $0x280  }
0x6: {  	s20 =	simm.s32 $0xA80;
	s19 =	simm.s32 $0x300;
	p0 =	por $0x0, $0x0  }
0x7: {  	s28 =	simm.s32 $0xC80;
	s29 =	simm.s32 $0x500;
	s30 =	simm.s32 $0xD00  }
0x8: {  	s31 =	simm.s32 $0x580;
	[smem:$0x7FF] =	sst s2;
	s5 =	sadd.s32 $0x5600, s0  }
0x9: {  	s6 =	sadd.s32 $0x7D600, s0;
	s1 =	sand.u32 $0x1, s1;
	s3 =	sadd.s32 $0x1A9600, s0  }
0xa: {  	s4 =	sshll.u32 s4, $0x9;
	s7 =	sadd.s32 $0xF5600, s0;
	s9 =	sadd.s32 $0x25D600, s0  }
0xb: {  	_ =	strace $0x80000047;
	s8 =	sshll.u32 s1, $0x8;
	s1 =	ssub.s32 $0x2, s1  }
0xc: {  	[dreg:$0x2] =	wrdreg s3;
	s21 =	sor.u32 s8, s4;
	s22 =	sshrl.u32 s1, $0x1  }
0xd: {  	s8 =	sadd.s32 $0x1E5600, s0;
	s3 =	sadd.s32 s21, s0;
	s0 =	ssub.s32 s1, s22  }
0xe: {  	s13 =	simm.s32 $0xD80;
	[dreg:$0x5] =	wrdreg s25;
	s0 =	smax.u32 s0, $0x1  }
0xf: {  	s10 =	simm.s32 $0x1;
	[dreg:$0x6] =	wrdreg s26;
	p1 =	sne.s32 s0, $0x1  }
.Ltmp0:
0x10: {  	s25 =	simm.s32 $0xC00;
	s26 =	simm.s32 $0x480;
	(pc) =	sbr.rel @!p1 .LBB2_1-.Ltmp0, $4  }
0x11: {  	s4 =	simm.s32 $0x800;
	s21 =	simm.s32 $0xB00;
	s23 =	sadd.s32 $0x2D5800, s3  }
0x12: {  	s22 =	simm.s32 $0x380;
	s24 =	sadd.s32 $0x2D7800, s3;
	[dreg:$0x3] =	wrdreg s23  }
0x13: {  	s3 =	simm.s32 $0x2;
	[dreg:$0x4] =	wrdreg s24;
	s23 =	simm.s32 $0xB80  }
0x14: {  	s24 =	simm.s32 $0x400;
	s0 =	sadd.s32 $0xFFFFFFFF, s0;
	s1 =	rddreg [dreg:$0x3]  }
0x15: {  	[tilespmem:s2], [sflag:$0x2] =	stream.linear.gather [hbm4b:s1+s2], $0x600, $0x38;
	[tilespmem:$0x1000] =	vst v63  }
0x16: {  	_ =	swait.ge [sflag:s3], $0x600  }
0x17: {  	[sflag:s3] =	ssyncset.done $0x0  }
0x18: {  	[sflag:s3] =	ssyncadd.s32 $0xFFFFFA00  }
0x19: {  	[tilespmem:s4], [sflag:$0x1] =	stream.indirect.gather [hbm4b:s5+s11], $0x1, s2, s11, $0xb8;
	[tilespmem:$0x1000] =	vst v63  }
0x1a: {  	s1 =	rddreg [dreg:$0x5]  }
0x1b: {  	[tilespmem:s1], [sflag:$0x1] =	stream.indirect.gather [hbm4b:s5+s11], $0x1, s11, s11, $0xb8;
	[tilespmem:$0x1000] =	vst v63  }
0x1c: {  	s12 =	smov.u32 s0;
	s0 =	rddreg [dreg:$0x6];
	s1 =	simm.s32 $0x900  }
0x1d: {  	[tilespmem:s1], [sflag:$0x1] =	stream.indirect.gather [hbm4b:s6+s11], $0x1, s0, s11, $0xb8;
	[tilespmem:$0x1000] =	vst v63  }
0x1e: {  	_ = 	snop  }
0x1f: {  	[tilespmem:s15], [sflag:$0x1] =	stream.indirect.gather [hbm4b:s6+s11], $0x1, s14, s11, $0xb8;
	[tilespmem:$0x1000] =	vst v63  }
0x20: {  	_ = 	snop  }
0x21: {  	[tilespmem:s17], [sflag:$0x1] =	stream.indirect.gather [hbm4b:s7+s11], $0x1, s16, s11, $0xb8;
	[tilespmem:$0x1000] =	vst v63  }
0x22: {  	_ = 	snop  }
0x23: {  	[tilespmem:s20], [sflag:$0x1] =	stream.indirect.gather [hbm4b:s7+s11], $0x1, s18, s11, $0xb8;
	[tilespmem:$0x1000] =	vst v63  }
0x24: {  	_ = 	snop  }
0x25: {  	[tilespmem:s21], [sflag:$0x1] =	stream.indirect.gather [hbm4b:s7+s11], $0x1, s19, s11, $0xb8;
	[tilespmem:$0x1000] =	vst v63  }
0x26: {  	s1 =	rddreg [dreg:$0x2]  }
0x27: {  	[tilespmem:s23], [sflag:$0x1] =	stream.indirect.gather [hbm4b:s1+s11], $0x1, s22, s11, $0xb8;
	[tilespmem:$0x1000] =	vst v63  }
0x28: {  	_ = 	snop  }
0x29: {  	[tilespmem:s25], [sflag:$0x1] =	stream.indirect.gather [hbm4b:s8+s11], $0x1, s24, s11, $0xb8;
	[tilespmem:$0x1000] =	vst v63  }
0x2a: {  	_ = 	snop  }
0x2b: {  	[tilespmem:s28], [sflag:$0x1] =	stream.indirect.gather [hbm4b:s8+s11], $0x1, s26, s11, $0xb8;
	[tilespmem:$0x1000] =	vst v63  }
0x2c: {  	_ = 	snop  }
0x2d: {  	[tilespmem:s30], [sflag:$0x1] =	stream.indirect.gather [hbm4b:s9+s11], $0x1, s29, s11, $0xb8;
	[tilespmem:$0x1000] =	vst v63  }
0x2e: {  	_ = 	snop  }
0x2f: {  	[tilespmem:s13], [sflag:$0x1] =	stream.indirect.gather [hbm4b:s9+s11], $0x1, s31, s11, $0xb8;
	[tilespmem:$0x1000] =	vst v63  }
0x30: {  	_ =	swait.ge [sflag:s10], $0x80  }
0x31: {  	[sflag:s10] =	ssyncset.done $0x0  }
0x32: {  	[sflag:s10] =	ssyncadd.s32 $0xFFFFFF80  }
0x33: {  	_ =	swait.ge [sflag:s10], $0x80  }
0x34: {  	[sflag:s10] =	ssyncset.done $0x0  }
0x35: {  	[sflag:s10] =	ssyncadd.s32 $0xFFFFFF80  }
0x36: {  	_ =	swait.ge [sflag:s10], $0x80  }
0x37: {  	[sflag:s10] =	ssyncset.done $0x0  }
0x38: {  	[sflag:s10] =	ssyncadd.s32 $0xFFFFFF80  }
0x39: {  	_ =	swait.ge [sflag:s10], $0x80  }
0x3a: {  	[sflag:s10] =	ssyncset.done $0x0  }
0x3b: {  	[sflag:s10] =	ssyncadd.s32 $0xFFFFFF80  }
0x3c: {  	_ =	swait.ge [sflag:s10], $0x80  }
0x3d: {  	[sflag:s10] =	ssyncset.done $0x0  }
0x3e: {  	[sflag:s10] =	ssyncadd.s32 $0xFFFFFF80  }
0x3f: {  	_ =	swait.ge [sflag:s10], $0x80  }
0x40: {  	[sflag:s10] =	ssyncset.done $0x0  }
0x41: {  	[sflag:s10] =	ssyncadd.s32 $0xFFFFFF80  }
0x42: {  	_ =	swait.ge [sflag:s10], $0x80  }
0x43: {  	[sflag:s10] =	ssyncset.done $0x0  }
0x44: {  	[sflag:s10] =	ssyncadd.s32 $0xFFFFFF80  }
0x45: {  	_ =	swait.ge [sflag:s10], $0x80  }
0x46: {  	[sflag:s10] =	ssyncset.done $0x0  }
0x47: {  	[sflag:s10] =	ssyncadd.s32 $0xFFFFFF80  }
0x48: {  	_ =	swait.ge [sflag:s10], $0x80  }
0x49: {  	[sflag:s10] =	ssyncset.done $0x0  }
0x4a: {  	[sflag:s10] =	ssyncadd.s32 $0xFFFFFF80  }
0x4b: {  	_ =	swait.ge [sflag:s10], $0x80  }
0x4c: {  	[sflag:s10] =	ssyncset.done $0x0  }
0x4d: {  	[sflag:s10] =	ssyncadd.s32 $0xFFFFFF80  }
0x4e: {  	_ =	swait.ge [sflag:s10], $0x80  }
0x4f: {  	[sflag:s10] =	ssyncset.done $0x0  }
0x50: {  	[sflag:s10] =	ssyncadd.s32 $0xFFFFFF80  }
0x51: {  	p1 =	sne.s32 s12, $0x1;
	_ =	swait.ge [sflag:s10], $0x80  }
.Ltmp1:
0x52: {  	[sflag:s10] =	ssyncset.done $0x0;
	(pc) =	sbr.rel @!p1 .LBB2_3-.Ltmp1, $4  }
0x53: {  	s1 =	rddreg [dreg:$0x4];
	[sflag:s10] =	ssyncadd.s32 $0xFFFFFF80  }
0x54: {  	[hbm4b:s1+s2] =	stream.linear.scatter [tilespmem:s4], [sflag:$0x2], $0x600, $0x38;
	[tilespmem:$0x1000] =	vst v63  }
0x55: {  	p0 =	por $0x1, $0x1;
	_ =	swait.ge [sflag:s3], $0x600  }
0x56: {  	s0 =	sadd.s32 $0xFFFFFFFF, s12;
	s1 =	rddreg [dreg:$0x3];
	[sflag:s3] =	ssyncset.done $0x0  }
.LBB2_4:
0x57: {  	[sflag:s3] =	ssyncadd.s32 $0xFFFFFA00  }
0x58: {  	[tilespmem:s2], [sflag:$0x2] =	stream.linear.gather [hbm4b:s1+s2], $0x600, $0x38;
	[tilespmem:$0x1000] =	vst v63  }
0x59: {  	_ =	swait.ge [sflag:s3], $0x600  }
0x5a: {  	[sflag:s3] =	ssyncset.done $0x0  }
0x5b: {  	[sflag:s3] =	ssyncadd.s32 $0xFFFFFA00  }
0x5c: {  	[tilespmem:s4], [sflag:$0x1] =	stream.indirect.gather [hbm4b:s5+s11], $0x1, s2, s11, $0xb8;
	[tilespmem:$0x1000] =	vst v63  }
0x5d: {  	s1 =	rddreg [dreg:$0x5]  }
0x5e: {  	[tilespmem:s1], [sflag:$0x1] =	stream.indirect.gather [hbm4b:s5+s11], $0x1, s11, s11, $0xb8;
	[tilespmem:$0x1000] =	vst v63  }
0x5f: {  	s12 =	rddreg [dreg:$0x6];
	s1 =	simm.s32 $0x900  }
0x60: {  	[tilespmem:s1], [sflag:$0x1] =	stream.indirect.gather [hbm4b:s6+s11], $0x1, s12, s11, $0xb8;
	[tilespmem:$0x1000] =	vst v63  }
0x61: {  	_ = 	snop  }
0x62: {  	[tilespmem:s15], [sflag:$0x1] =	stream.indirect.gather [hbm4b:s6+s11], $0x1, s14, s11, $0xb8;
	[tilespmem:$0x1000] =	vst v63  }
0x63: {  	_ = 	snop  }
0x64: {  	[tilespmem:s17], [sflag:$0x1] =	stream.indirect.gather [hbm4b:s7+s11], $0x1, s16, s11, $0xb8;
	[tilespmem:$0x1000] =	vst v63  }
0x65: {  	_ = 	snop  }
0x66: {  	[tilespmem:s20], [sflag:$0x1] =	stream.indirect.gather [hbm4b:s7+s11], $0x1, s18, s11, $0xb8;
	[tilespmem:$0x1000] =	vst v63  }
0x67: {  	_ = 	snop  }
0x68: {  	[tilespmem:s21], [sflag:$0x1] =	stream.indirect.gather [hbm4b:s7+s11], $0x1, s19, s11, $0xb8;
	[tilespmem:$0x1000] =	vst v63  }
0x69: {  	s12 =	rddreg [dreg:$0x2]  }
0x6a: {  	[tilespmem:s23], [sflag:$0x1] =	stream.indirect.gather [hbm4b:s12+s11], $0x1, s22, s11, $0xb8;
	[tilespmem:$0x1000] =	vst v63  }
0x6b: {  	_ = 	snop  }
0x6c: {  	[tilespmem:s25], [sflag:$0x1] =	stream.indirect.gather [hbm4b:s8+s11], $0x1, s24, s11, $0xb8;
	[tilespmem:$0x1000] =	vst v63  }
0x6d: {  	_ = 	snop  }
0x6e: {  	[tilespmem:s28], [sflag:$0x1] =	stream.indirect.gather [hbm4b:s8+s11], $0x1, s26, s11, $0xb8;
	[tilespmem:$0x1000] =	vst v63  }
0x6f: {  	_ = 	snop  }
0x70: {  	[tilespmem:s30], [sflag:$0x1] =	stream.indirect.gather [hbm4b:s9+s11], $0x1, s29, s11, $0xb8;
	[tilespmem:$0x1000] =	vst v63  }
0x71: {  	_ = 	snop  }
0x72: {  	[tilespmem:s13], [sflag:$0x1] =	stream.indirect.gather [hbm4b:s9+s11], $0x1, s31, s11, $0xb8;
	[tilespmem:$0x1000] =	vst v63  }
0x73: {  	_ =	swait.ge [sflag:s10], $0x80  }
0x74: {  	[sflag:s10] =	ssyncset.done $0x0  }
0x75: {  	[sflag:s10] =	ssyncadd.s32 $0xFFFFFF80  }
0x76: {  	_ =	swait.ge [sflag:s10], $0x80  }
0x77: {  	[sflag:s10] =	ssyncset.done $0x0  }
0x78: {  	[sflag:s10] =	ssyncadd.s32 $0xFFFFFF80  }
0x79: {  	_ =	swait.ge [sflag:s10], $0x80  }
0x7a: {  	[sflag:s10] =	ssyncset.done $0x0  }
0x7b: {  	[sflag:s10] =	ssyncadd.s32 $0xFFFFFF80  }
0x7c: {  	_ =	swait.ge [sflag:s10], $0x80  }
0x7d: {  	[sflag:s10] =	ssyncset.done $0x0  }
0x7e: {  	[sflag:s10] =	ssyncadd.s32 $0xFFFFFF80  }
0x7f: {  	_ =	swait.ge [sflag:s10], $0x80  }
0x80: {  	[sflag:s10] =	ssyncset.done $0x0  }
0x81: {  	[sflag:s10] =	ssyncadd.s32 $0xFFFFFF80  }
0x82: {  	_ =	swait.ge [sflag:s10], $0x80  }
0x83: {  	[sflag:s10] =	ssyncset.done $0x0  }
0x84: {  	[sflag:s10] =	ssyncadd.s32 $0xFFFFFF80  }
0x85: {  	_ =	swait.ge [sflag:s10], $0x80  }
0x86: {  	[sflag:s10] =	ssyncset.done $0x0  }
0x87: {  	[sflag:s10] =	ssyncadd.s32 $0xFFFFFF80  }
0x88: {  	_ =	swait.ge [sflag:s10], $0x80  }
0x89: {  	[sflag:s10] =	ssyncset.done $0x0  }
0x8a: {  	[sflag:s10] =	ssyncadd.s32 $0xFFFFFF80  }
0x8b: {  	_ =	swait.ge [sflag:s10], $0x80  }
0x8c: {  	[sflag:s10] =	ssyncset.done $0x0  }
0x8d: {  	[sflag:s10] =	ssyncadd.s32 $0xFFFFFF80  }
0x8e: {  	_ =	swait.ge [sflag:s10], $0x80  }
0x8f: {  	[sflag:s10] =	ssyncset.done $0x0  }
0x90: {  	[sflag:s10] =	ssyncadd.s32 $0xFFFFFF80  }
0x91: {  	_ =	swait.ge [sflag:s10], $0x80  }
0x92: {  	[sflag:s10] =	ssyncset.done $0x0  }
0x93: {  	[sflag:s10] =	ssyncadd.s32 $0xFFFFFF80  }
0x94: {  	p1 =	sne.s32 s0, $0x1;
	_ =	swait.ge [sflag:s10], $0x80  }
.Ltmp2:
0x95: {  	[sflag:s10] =	ssyncset.done $0x0;
	(pc) =	sbr.rel @p1 .LBB2_4-.Ltmp2, $4  }
0x96: {  	s12 =	rddreg [dreg:$0x4];
	[sflag:s10] =	ssyncadd.s32 $0xFFFFFF80  }
0x97: {  	[hbm4b:s12+s2] =	stream.linear.scatter [tilespmem:s4], [sflag:$0x2], $0x600, $0x38;
	[tilespmem:$0x1000] =	vst v63  }
0x98: {  	_ =	swait.ge [sflag:s3], $0x600  }
0x99: {  	s0 =	sadd.s32 $0xFFFFFFFF, s0;
	s1 =	rddreg [dreg:$0x3];
	[sflag:s3] =	ssyncset.done $0x0  }
0x9a: {  	s31 =	simm.s32 $0x580  }
0x9b: {  	s30 =	simm.s32 $0xD00;
	s29 =	simm.s32 $0x500;
	s28 =	simm.s32 $0xC80  }
0x9c: {  	s26 =	simm.s32 $0x480;
	s25 =	simm.s32 $0xC00;
	s24 =	simm.s32 $0x400  }
0x9d: {  	s23 =	simm.s32 $0xB80;
	s22 =	simm.s32 $0x380;
	s21 =	simm.s32 $0xB00  }
0x9e: {  	s20 =	simm.s32 $0xA80;
	s19 =	simm.s32 $0x300;
	s18 =	simm.s32 $0x280  }
0x9f: {  	s17 =	simm.s32 $0xA00;
	s16 =	simm.s32 $0x200;
	s15 =	simm.s32 $0x980  }
0xa0: {  	s14 =	simm.s32 $0x180;
	s13 =	simm.s32 $0x900;
	s12 =	rddreg [dreg:$0x1]  }
.LBB2_6:
0xa1: {  	[sflag:s3] =	ssyncadd.s32 @p0 $0xFFFFFA00  }
0xa2: {  	[tilespmem:s2], [sflag:$0x2] =	stream.linear.gather [hbm4b:s1+s2], $0x600, $0x38;
	[tilespmem:$0x1000] =	vst v63  }
0xa3: {  	_ =	swait.ge [sflag:s3], $0x600  }
0xa4: {  	[sflag:s3] =	ssyncset.done $0x0  }
0xa5: {  	[sflag:s3] =	ssyncadd.s32 $0xFFFFFA00  }
0xa6: {  	[tilespmem:s4], [sflag:$0x1] =	stream.indirect.gather [hbm4b:s5+s11], $0x1, s2, s11, $0xb8;
	[tilespmem:$0x1000] =	vst v63  }
0xa7: {  	s0 =	rddreg [dreg:$0x5]  }
0xa8: {  	[tilespmem:s0], [sflag:$0x1] =	stream.indirect.gather [hbm4b:s5+s11], $0x1, s11, s11, $0xb8;
	[tilespmem:$0x1000] =	vst v63  }
0xa9: {  	s1 =	rddreg [dreg:$0x6]  }
0xaa: {  	[tilespmem:s13], [sflag:$0x1] =	stream.indirect.gather [hbm4b:s6+s11], $0x1, s1, s11, $0xb8;
	[tilespmem:$0x1000] =	vst v63  }
0xab: {  	_ = 	snop  }
0xac: {  	[tilespmem:s15], [sflag:$0x1] =	stream.indirect.gather [hbm4b:s6+s11], $0x1, s14, s11, $0xb8;
	[tilespmem:$0x1000] =	vst v63  }
0xad: {  	_ = 	snop  }
0xae: {  	[tilespmem:s17], [sflag:$0x1] =	stream.indirect.gather [hbm4b:s7+s11], $0x1, s16, s11, $0xb8;
	[tilespmem:$0x1000] =	vst v63  }
0xaf: {  	_ = 	snop  }
0xb0: {  	[tilespmem:s20], [sflag:$0x1] =	stream.indirect.gather [hbm4b:s7+s11], $0x1, s18, s11, $0xb8;
	[tilespmem:$0x1000] =	vst v63  }
0xb1: {  	_ = 	snop  }
0xb2: {  	[tilespmem:s21], [sflag:$0x1] =	stream.indirect.gather [hbm4b:s7+s11], $0x1, s19, s11, $0xb8;
	[tilespmem:$0x1000] =	vst v63  }
0xb3: {  	s20 =	rddreg [dreg:$0x2]  }
0xb4: {  	[tilespmem:s23], [sflag:$0x1] =	stream.indirect.gather [hbm4b:s20+s11], $0x1, s22, s11, $0xb8;
	[tilespmem:$0x1000] =	vst v63  }
0xb5: {  	_ = 	snop  }
0xb6: {  	[tilespmem:s25], [sflag:$0x1] =	stream.indirect.gather [hbm4b:s8+s11], $0x1, s24, s11, $0xb8;
	[tilespmem:$0x1000] =	vst v63  }
0xb7: {  	_ = 	snop  }
0xb8: {  	[tilespmem:s28], [sflag:$0x1] =	stream.indirect.gather [hbm4b:s8+s11], $0x1, s26, s11, $0xb8;
	[tilespmem:$0x1000] =	vst v63  }
0xb9: {  	_ = 	snop  }
0xba: {  	[tilespmem:s30], [sflag:$0x1] =	stream.indirect.gather [hbm4b:s9+s11], $0x1, s29, s11, $0xb8;
	[tilespmem:$0x1000] =	vst v63  }
0xbb: {  	s29 =	simm.s32 $0xD80  }
0xbc: {  	[tilespmem:s29], [sflag:$0x1] =	stream.indirect.gather [hbm4b:s9+s11], $0x1, s31, s11, $0xb8;
	[tilespmem:$0x1000] =	vst v63  }
0xbd: {  	_ =	swait.ge [sflag:s10], $0x80  }
0xbe: {  	[sflag:s10] =	ssyncset.done $0x0  }
0xbf: {  	[sflag:s10] =	ssyncadd.s32 $0xFFFFFF80  }
0xc0: {  	_ =	swait.ge [sflag:s10], $0x80  }
0xc1: {  	[sflag:s10] =	ssyncset.done $0x0  }
0xc2: {  	[sflag:s10] =	ssyncadd.s32 $0xFFFFFF80  }
0xc3: {  	_ =	swait.ge [sflag:s10], $0x80  }
0xc4: {  	[sflag:s10] =	ssyncset.done $0x0  }
0xc5: {  	[sflag:s10] =	ssyncadd.s32 $0xFFFFFF80  }
0xc6: {  	_ =	swait.ge [sflag:s10], $0x80  }
0xc7: {  	[sflag:s10] =	ssyncset.done $0x0  }
0xc8: {  	[sflag:s10] =	ssyncadd.s32 $0xFFFFFF80  }
0xc9: {  	_ =	swait.ge [sflag:s10], $0x80  }
0xca: {  	[sflag:s10] =	ssyncset.done $0x0  }
0xcb: {  	[sflag:s10] =	ssyncadd.s32 $0xFFFFFF80  }
0xcc: {  	_ =	swait.ge [sflag:s10], $0x80  }
0xcd: {  	[sflag:s10] =	ssyncset.done $0x0  }
0xce: {  	[sflag:s10] =	ssyncadd.s32 $0xFFFFFF80  }
0xcf: {  	_ =	swait.ge [sflag:s10], $0x80  }
0xd0: {  	[sflag:s10] =	ssyncset.done $0x0  }
0xd1: {  	[sflag:s10] =	ssyncadd.s32 $0xFFFFFF80  }
0xd2: {  	_ =	swait.ge [sflag:s10], $0x80  }
0xd3: {  	[sflag:s10] =	ssyncset.done $0x0  }
0xd4: {  	[sflag:s10] =	ssyncadd.s32 $0xFFFFFF80  }
0xd5: {  	_ =	swait.ge [sflag:s10], $0x80  }
0xd6: {  	[sflag:s10] =	ssyncset.done $0x0  }
0xd7: {  	[sflag:s10] =	ssyncadd.s32 $0xFFFFFF80  }
0xd8: {  	_ =	swait.ge [sflag:s10], $0x80  }
0xd9: {  	[sflag:s10] =	ssyncset.done $0x0  }
0xda: {  	[sflag:s10] =	ssyncadd.s32 $0xFFFFFF80  }
0xdb: {  	_ =	swait.ge [sflag:s10], $0x80  }
0xdc: {  	[sflag:s10] =	ssyncset.done $0x0  }
0xdd: {  	[sflag:s10] =	ssyncadd.s32 $0xFFFFFF80  }
0xde: {  	_ =	swait.ge [sflag:s10], $0x80  }
0xdf: {  	[sflag:s10] =	ssyncset.done $0x0  }
0xe0: {  	s30 =	rddreg [dreg:$0x4];
	[sflag:s10] =	ssyncadd.s32 $0xFFFFFF80  }
0xe1: {  	[hbm4b:s30+s2] =	stream.linear.scatter [tilespmem:s4], [sflag:$0x2], $0x600, $0x38;
	[tilespmem:$0x1000] =	vst v63  }
0xe2: {  	_ =	swait.ge [sflag:s3], $0x600  }
0xe3: {  	[sflag:s3] =	ssyncset.done $0x0  }
0xe4: {  	[sflag:s3] =	ssyncadd.s32 $0xFFFFFA00  }
0xe5: {  	_ =	sfence.sel $0x180000  }
0xe6: {  	s31 =	stileid.u32;
	[bflag:$0x0] =	sbarrier.arrive $0xFFFF  }
0xe7: {  	p0 =	sne.s32 s31, $0x0;
	_ =	strace $0x90000047  }
0xe8: {  	s0 =	sadd.s32 @!p0 $0x100000, s12;
	[bflag:$0x2] =	sbarrier.arrive $0xFFFF  }
0xe9: {  	[sflag:s0] =	ssyncadd.tile.s32 @!p0 $0x1;
	_ =	shalt  }
.LBB2_1:
0xea: {  	s31 =	simm.s32 $0x580  }
0xeb: {  	s30 =	simm.s32 $0xD00;
	s29 =	simm.s32 $0x500;
	s28 =	simm.s32 $0xC80  }
.Ltmp3:
0xec: {  	s26 =	simm.s32 $0x480;
	s25 =	simm.s32 $0xC00;
	(pc) =	sbr.rel .LBB2_6-.Ltmp3, $4  }
0xed: {  	s24 =	simm.s32 $0x400;
	s23 =	simm.s32 $0xB80;
	s22 =	simm.s32 $0x380  }
0xee: {  	s21 =	simm.s32 $0xB00;
	s20 =	simm.s32 $0xA80;
	s19 =	simm.s32 $0x300  }
0xef: {  	s18 =	simm.s32 $0x280;
	s17 =	simm.s32 $0xA00;
	s16 =	simm.s32 $0x200  }
0xf0: {  	s15 =	simm.s32 $0x980;
	s14 =	simm.s32 $0x180;
	s13 =	simm.s32 $0x900  }
.LBB2_3:
0xf1: {  	s31 =	simm.s32 $0x580;
	s30 =	simm.s32 $0xD00  }
0xf2: {  	s29 =	simm.s32 $0x500;
	s28 =	simm.s32 $0xC80;
	s26 =	simm.s32 $0x480  }
.Ltmp4:
0xf3: {  	s25 =	simm.s32 $0xC00;
	s24 =	simm.s32 $0x400;
	(pc) =	sbr.rel .LBB2_6-.Ltmp4, $4  }
0xf4: {  	s23 =	simm.s32 $0xB80;
	s22 =	simm.s32 $0x380;
	s21 =	simm.s32 $0xB00  }
0xf5: {  	s20 =	simm.s32 $0xA80;
	s19 =	simm.s32 $0x300;
	s18 =	simm.s32 $0x280  }
0xf6: {  	s17 =	simm.s32 $0xA00;
	s16 =	simm.s32 $0x200;
	s15 =	simm.s32 $0x980  }
0xf7: {  	s14 =	simm.s32 $0x180;
	s13 =	simm.s32 $0x900;
	s12 =	rddreg [dreg:$0x1]  }
.Lfunc_end2:
_tile_overlayer_lowered:
.L_overlay_start_2:
0xf8: {  	(tag) =	ssettag $0x2  }
0xf9: {  	s0 =	rddreg [dreg:$0x0];
	s2 =	stileid.u32  }
0xfa: {  	s1 =	rddreg [dreg:$0x1];
	p0 =	sne.s32 s2, $0x0  }
0xfb: {  	s3 =	rddreg [dreg:$0x2];
	[bflag:$0x3] =	sbarrier.arrive $0xFFFF;
	s2 =	simm.s32 @!p0 $0x1C02  }
0xfc: {  	[timem:s3], [sflag:s2] =	dma.local @!p0 [hbm:s0], s1  }
0xfd: {  	s0 =	simm.s32 @!p0 $0x2  }
0xfe: {  	_ =	swait.ge @!p0 [sflag:s0], s1  }
0xff: {  	s1 =	ssub.s32 @!p0 $0x0, s1;
	[sflag:s0] =	ssyncset.done @!p0 $0x0  }
0x100: {  	[sflag:s0] =	ssyncadd.s32 @!p0 s1  }
0x101: {  	[bflag:$0x3] =	sbarrier.arrive $0xFFFF  }
0x102: {  	_ =	shalt  }

</sc_bundles>
